<compile_context>
chip_gen: v7x
topology: tpu7x:2x2x1
jax: 0.10.2.dev20260603
libtpu: 0.0.44.dev20260713+nightly
codegen_flags: <defaults>
</compile_context>

<pallas_src>
import functools

import jax
import jax.numpy as jnp
from jax import lax
from jax.experimental import pallas as pl
from jax.experimental.pallas import tpu as pltpu
from jax.experimental.pallas import tpu_sc as plsc

N = 10000
NP = 10240
D = 128
E = 320000
NC = 2
NS = 16
NW = NC * NS
EPW = E // NW
K = 128
NCHUNK = EPW // K
TAIL = EPW - NCHUNK * K
NSB = 3
RPT = NP // NS

def _deg_body(dst_hbm, out_hbm, didx, deg_l):
    c = lax.axis_index("c")
    s = lax.axis_index("s")
    wid = s * NC + c

    pltpu.sync_copy(dst_hbm.at[pl.ds(wid * EPW, EPW)], didx)

    def zero(i, carry):
        deg_l[pl.ds(i * 16, 16)] = jnp.zeros((16,), jnp.float32)
        return carry

    lax.fori_loop(0, NP // 16, zero, 0)
    ones = jnp.ones((16,), jnp.float32)

    def body(i, carry):
        idx = didx[pl.ds(i * 16, 16)]
        plsc.addupdate_scatter(deg_l, [idx], ones)
        return carry

    lax.fori_loop(0, EPW // 16, body, 0)
    pltpu.sync_copy(deg_l, out_hbm.at[wid])


@functools.cache
def _deg_sc():
    return pl.kernel(
        _deg_body,
        mesh=plsc.VectorSubcoreMesh(core_axis_name="c", subcore_axis_name="s"),
        out_type=jax.ShapeDtypeStruct((NW, NP), jnp.float32),
        scratch_types=[
            pltpu.VMEM((EPW,), jnp.int32),
            pltpu.VMEM((NP,), jnp.float32),
        ],
        compiler_params=pltpu.CompilerParams(needs_layout_passes=False),
    )


NBUF = 2


def _agg_body(
    y_hbm, src_hbm, dst_hbm, zeros_hbm, out_hbm, sidx, didx, rows, acc, tsrc, tdst,
    gsem, dsem, ssem
):
    c = lax.axis_index("c")
    s = lax.axis_index("s")
    wid = s * NC + c
    ebase = wid * EPW

    pltpu.sync_copy(zeros_hbm, acc.at[pl.ds(s * RPT, RPT)])
    for j in range(NSB):
        pltpu.async_copy(src_hbm.at[pl.ds(ebase + j * K, K)], sidx.at[j], ssem.at[j])
    for j in range(NBUF):
        pltpu.async_copy(dst_hbm.at[pl.ds(ebase + j * K, K)], didx.at[j], dsem.at[j])
        pltpu.make_async_copy(
            src_hbm.at[pl.ds(ebase + j * K, K)], sidx.at[j], ssem.at[j]
        ).wait()
        pltpu.async_copy(y_hbm.at[sidx.at[j]], rows.at[j], gsem.at[j])
    plsc.subcore_barrier()

    def body(i, carry):
        b = lax.rem(i, NBUF)
        sb = lax.rem(i + NBUF, NSB)
        gw = lax.rem(i, NSB)
        pltpu.make_async_copy(y_hbm.at[sidx.at[gw]], rows.at[b], gsem.at[b]).wait()
        pltpu.make_async_copy(
            dst_hbm.at[pl.ds(ebase + i * K, K)], didx.at[b], dsem.at[b]
        ).wait()
        pltpu.sync_copy(rows.at[b], acc.at[didx.at[b]], add=True)

        @pl.when(i + NBUF < NCHUNK)
        def _():
            pltpu.make_async_copy(
                src_hbm.at[pl.ds(ebase + (i + NBUF) * K, K)], sidx.at[sb], ssem.at[sb]
            ).wait()
            pltpu.async_copy(
                dst_hbm.at[pl.ds(ebase + (i + NBUF) * K, K)], didx.at[b], dsem.at[b]
            )
            pltpu.async_copy(y_hbm.at[sidx.at[sb]], rows.at[b], gsem.at[b])

        @pl.when(i + NSB < NCHUNK)
        def _():
            sb2 = lax.rem(i + NSB, NSB)
            pltpu.async_copy(
                src_hbm.at[pl.ds(ebase + (i + NSB) * K, K)], sidx.at[sb2], ssem.at[sb2]
            )

        return carry

    lax.fori_loop(0, NCHUNK, body, 0)
    tbase = ebase + NCHUNK * K
    pltpu.sync_copy(src_hbm.at[pl.ds(tbase, TAIL)], tsrc)
    pltpu.async_copy(y_hbm.at[tsrc], rows.at[0, pl.ds(0, TAIL)], gsem.at[0]).wait()
    pltpu.sync_copy(dst_hbm.at[pl.ds(tbase, TAIL)], tdst)
    pltpu.sync_copy(rows.at[0, pl.ds(0, TAIL)], acc.at[tdst], add=True)
    plsc.subcore_barrier()
    pltpu.sync_copy(
        acc.at[pl.ds(s * RPT, RPT)], out_hbm.at[c, pl.ds(s * RPT, RPT)]
    )


@functools.cache
def _agg_sc():
    return pl.kernel(
        _agg_body,
        mesh=plsc.VectorSubcoreMesh(core_axis_name="c", subcore_axis_name="s"),
        out_type=jax.ShapeDtypeStruct((NC, NP, D), jnp.float32),
        scratch_types=[
            pltpu.VMEM((NSB, K), jnp.int32),
            pltpu.VMEM((NBUF, K), jnp.int32),
            pltpu.VMEM((NBUF, K, D), jnp.float32),
            pltpu.VMEM_SHARED((NP, D), jnp.float32),
            pltpu.VMEM((TAIL,), jnp.int32),
            pltpu.VMEM((TAIL,), jnp.int32),
            pltpu.SemaphoreType.DMA((NBUF,)),
            pltpu.SemaphoreType.DMA((NBUF,)),
            pltpu.SemaphoreType.DMA((NSB,)),
        ],
    )


def _prep_body(degt_ref, x_ref, dinv_ref, y1_ref):
    deg = jnp.sum(degt_ref[...], axis=1, keepdims=True) + 1.0
    dinv = lax.rsqrt(deg)
    dinv_ref[...] = dinv
    y1_ref[...] = x_ref[...] * dinv[:N]


def _prep_tc(degt, x):
    return pl.pallas_call(
        _prep_body,
        out_shape=(
            jax.ShapeDtypeStruct((NP, 1), jnp.float32),
            jax.ShapeDtypeStruct((N, D), jnp.float32),
        ),
    )(degt, x)


_BLK = 1000
_NBLK = N // _BLK


def _mid_body(y1_ref, pp_ref, dinv_ref, w1_ref, b1_ref, pw1_ref, w2_ref, y2_ref):
    z = y1_ref[...] + pp_ref[0] + pp_ref[1]
    zh = (z * dinv_ref[...]).astype(jnp.bfloat16)
    h = jnp.dot(
        zh, w1_ref[...].astype(jnp.bfloat16), preferred_element_type=jnp.float32
    ) + b1_ref[...]
    h = jnp.where(h >= 0, h, h * pw1_ref[...]).astype(jnp.bfloat16)
    g = jnp.dot(
        h, w2_ref[...].astype(jnp.bfloat16), preferred_element_type=jnp.float32
    )
    y2_ref[...] = g * dinv_ref[...]


def _mid_tc(y1, pp, dinv, w1, b1, pw1, w2):
    dh = w1.shape[1]
    return pl.pallas_call(
        _mid_body,
        grid=(_NBLK,),
        in_specs=[
            pl.BlockSpec((_BLK, D), lambda i: (i, 0)),
            pl.BlockSpec((NC, _BLK, D), lambda i: (0, i, 0)),
            pl.BlockSpec((_BLK, 1), lambda i: (i, 0)),
            pl.BlockSpec((D, dh), lambda i: (0, 0)),
            pl.BlockSpec((1, dh), lambda i: (0, 0)),
            pl.BlockSpec((1, dh), lambda i: (0, 0)),
            pl.BlockSpec((dh, D), lambda i: (0, 0)),
        ],
        out_specs=pl.BlockSpec((_BLK, D), lambda i: (i, 0)),
        out_shape=jax.ShapeDtypeStruct((N, D), jnp.float32),
    )(y1, pp, dinv, w1, b1, pw1, w2)


def _fin_body(y2_ref, qq_ref, dinv_ref, b2_ref, pw2_ref, o_ref):
    z = y2_ref[...] + qq_ref[0] + qq_ref[1]
    h = z * dinv_ref[...] + b2_ref[...]
    o_ref[...] = jnp.where(h >= 0, h, h * pw2_ref[...])


def _fin_tc(y2, qq, dinv, b2, pw2):
    return pl.pallas_call(
        _fin_body,
        grid=(_NBLK,),
        in_specs=[
            pl.BlockSpec((_BLK, D), lambda i: (i, 0)),
            pl.BlockSpec((NC, _BLK, D), lambda i: (0, i, 0)),
            pl.BlockSpec((_BLK, 1), lambda i: (i, 0)),
            pl.BlockSpec((1, D), lambda i: (0, 0)),
            pl.BlockSpec((1, D), lambda i: (0, 0)),
        ],
        out_specs=pl.BlockSpec((_BLK, D), lambda i: (i, 0)),
        out_shape=jax.ShapeDtypeStruct((N, D), jnp.float32),
    )(y2, qq, dinv, b2, pw2)


@jax.jit
def kernel(x, edge_index, W1, b1, p1, W2, b2, p2):
    src = edge_index[0].astype(jnp.int32)
    dst = edge_index[1].astype(jnp.int32)
    zeros2 = jnp.zeros((RPT, D), jnp.float32)

    degp = _deg_sc()(dst)
    dinv, y1 = _prep_tc(degp.T, x)

    pp = _agg_sc()(y1, src, dst, zeros2)
    y2 = _mid_tc(y1, pp, dinv, W1, b1[None, :], p1[None, :], W2)

    qq = _agg_sc()(y2, src, dst, zeros2)
    return _fin_tc(y2, qq, dinv, b2[None, :], p2[None, :])

# --- scband reference (transcript-rebuilt; emitter-appended) ---
"""Pipeline reference for scband-gcn-82712480186991 (READ-ONLY COPY).

The authoritative reference and input builder live on the scoring server;
editing this copy changes nothing except your own understanding.
"""

import jax, jax.numpy as jnp
import numpy as np

N_NODES = 10000


def gcn_conv(x, src, dst, W, b, n_nodes):
    # PyG GCNConv: x' = D^-1/2 (A+I) D^-1/2 (x W) + b
    x = x @ W
    loop = jnp.arange(n_nodes, dtype=src.dtype)
    src_l = jnp.concatenate([src, loop])
    dst_l = jnp.concatenate([dst, loop])
    ew = jnp.ones(src_l.shape[0], dtype=x.dtype)
    deg = jnp.zeros((n_nodes,), dtype=x.dtype).at[dst_l].add(ew)
    deg_inv_sqrt = jnp.where(deg > 0, 1.0 / jnp.sqrt(deg), 0.0)
    norm = deg_inv_sqrt[src_l] * deg_inv_sqrt[dst_l]
    msg = x[src_l] * norm[:, None]
    out = jnp.zeros((n_nodes, x.shape[1]), dtype=x.dtype).at[dst_l].add(msg)
    return out + b


def prelu(x, p):
    return jnp.where(x >= 0, x, x * p[None, :])


def setup_inputs(seed: int = 0) -> dict:
    key = jax.random.key(seed)
    k1, k2, k3, k4, k5 = jax.random.split(key, 5)
    x = jax.random.normal(k1, (N_NODES, 128), dtype=jnp.float32)
    edge_index = jax.random.randint(k2, (2, 320000), 0, N_NODES, dtype=jnp.int64)
    # layer 0: GCNConv(128 -> 512), PReLU(512)
    W1 = jax.random.normal(k3, (128, 512), dtype=jnp.float32) * (1.0 / np.sqrt(128))
    b1 = jnp.zeros((512,), dtype=jnp.float32)
    p1 = jnp.full((512,), 0.25, dtype=jnp.float32)
    # final layer (hidden_channels=128 < 512): GCNConv(512 -> 128), PReLU(128)
    W2 = jax.random.normal(k4, (512, 128), dtype=jnp.float32) * (1.0 / np.sqrt(512))
    b2 = jnp.zeros((128,), dtype=jnp.float32)
    p2 = jnp.full((128,), 0.25, dtype=jnp.float32)
    return {"x": x, "edge_index": edge_index, "W1": W1, "b1": b1, "p1": p1, "W2": W2, "b2": b2, "p2": p2}


def reference(x, edge_index, W1, b1, p1, W2, b2, p2):
    n_nodes = x.shape[0]
    src = edge_index[0]
    dst = edge_index[1]
    h = gcn_conv(x, src, dst, W1, b1, n_nodes)
    h = prelu(h, p1)
    h = gcn_conv(h, src, dst, W2, b2, n_nodes)
    h = prelu(h, p2)
    return h

if __name__ == "__main__":
    import jax
    _d = setup_inputs()
    print(jax.jit(kernel)(*tuple(_d.values())))

</pallas_src>

<mosaic_0001>
#map = affine_map<(d0, d1) -> (0)>
#map1 = affine_map<(d0, d1) -> (0, 0)>
module attributes {stable_mosaic.version = 14 : i64} {
  func.func @_deg_body(%arg0: i32, %arg1: i32, %arg2: memref<320000xi32, #tpu.memory_space<hbm>>, %arg3: memref<32x10240xf32, #tpu.memory_space<hbm>>, %arg4: memref<10000xi32, #tpu.memory_space<vmem>>, %arg5: memref<10240xf32, #tpu.memory_space<vmem>>) attributes {dimension_semantics = [#tpu.dimension_semantics<core_parallel>, #tpu.dimension_semantics<subcore_parallel>], iteration_bounds = array<i64: 2, 16>, scalar_prefetch = 0 : i64, scratch_operands = 2 : i64, tpu.core_type = #tpu.core_type<sc_vector_subcore>, window_params = [{transform_indices = #map}, {transform_indices = #map1}]} {
    %mul3A = arith.constant 2 : i32
    %mul3A_0 = arith.muli %arg1, %mul3A : i32
    %add3A = arith.addi %mul3A_0, %arg0 : i32
    %mul3A_1 = arith.constant 10000 : i32
    %mul3A_2 = arith.muli %add3A, %mul3A_1 : i32
    "tpu.region"() ({
      %run_scoped3A = tpu.sem_alloc : memref<!tpu.dma_semaphore, #tpu.memory_space<semaphore_mem>>
      %dma_start3A = tpu.memref_slice %arg2[%mul3A_2] : memref<320000xi32, #tpu.memory_space<hbm>> -> memref<10000xi32, #tpu.memory_space<hbm>>
      %dma_start3A_15 = tpu.memref_slice %arg2[%mul3A_2] : memref<320000xi32, #tpu.memory_space<hbm>> -> memref<10000xi32, #tpu.memory_space<hbm>>
      tpu.enqueue_dma source(%dma_start3A_15 : memref<10000xi32, #tpu.memory_space<hbm>>) target(%arg4 : memref<10000xi32, #tpu.memory_space<vmem>>) target_semaphore(%run_scoped3A : memref<!tpu.dma_semaphore, #tpu.memory_space<semaphore_mem>>)
      %dma_wait3A = tpu.memref_slice %arg2[%mul3A_2] : memref<320000xi32, #tpu.memory_space<hbm>> -> memref<10000xi32, #tpu.memory_space<hbm>>
      %dma_wait3A_16 = tpu.memref_slice %arg2[%mul3A_2] : memref<320000xi32, #tpu.memory_space<hbm>> -> memref<10000xi32, #tpu.memory_space<hbm>>
      tpu.wait_dma2 semaphore(%run_scoped3A : memref<!tpu.dma_semaphore, #tpu.memory_space<semaphore_mem>>) src(%dma_wait3A_16 : memref<10000xi32, #tpu.memory_space<hbm>>) dst(%arg4 : memref<10000xi32, #tpu.memory_space<vmem>>)
      tpu.yield
    }) : () -> ()
    %scan3A = arith.constant 0 : i32
    %scan3A_3 = arith.constant 0 : i32
    %scan3A_4 = arith.constant 640 : i32
    %scan3A_5 = arith.addi %scan3A_3, %scan3A_4 : i32
    %scan3A_6 = arith.constant 1 : i32
    scf.for %scan3A_15 = %scan3A_3 to %scan3A_5 step %scan3A_6  : i32 {
      %broadcast_in_dim3A_16 = arith.constant 0.000000e+00 : f32
      %broadcast_in_dim3A_17 = vector.broadcast %broadcast_in_dim3A_16 : f32 to vector<16xf32>
      %mul3A_18 = arith.constant 16 : i32
      %mul3A_19 = arith.muli %scan3A_15, %mul3A_18 : i32
      %swap3A = arith.index_cast %mul3A_19 : i32 to index
      %swap3A_20 = tpu.vector_load %arg5[%swap3A] {strides = array<i32>} : memref<10240xf32, #tpu.memory_space<vmem>>, vector<16xf32>,
      tpu.vector_store %arg5[%swap3A], %broadcast_in_dim3A_17 {strides = array<i32>} : memref<10240xf32, #tpu.memory_space<vmem>>, vector<16xf32>,
    }
    %scan3A_7 = arith.constant 640 : i32
    %broadcast_in_dim3A = arith.constant 1.000000e+00 : f32
    %broadcast_in_dim3A_8 = vector.broadcast %broadcast_in_dim3A : f32 to vector<16xf32>
    %scan3A_9 = arith.constant 0 : i32
    %scan3A_10 = arith.constant 0 : i32
    %scan3A_11 = arith.constant 625 : i32
    %scan3A_12 = arith.addi %scan3A_10, %scan3A_11 : i32
    %scan3A_13 = arith.constant 1 : i32
    scf.for %scan3A_15 = %scan3A_10 to %scan3A_12 step %scan3A_13  : i32 {
      %mul3A_16 = arith.constant 16 : i32
      %mul3A_17 = arith.muli %scan3A_15, %mul3A_16 : i32
      %get3A = arith.index_cast %mul3A_17 : i32 to index
      %get3A_18 = tpu.vector_load %arg4[%get3A] {strides = array<i32>} : memref<10000xi32, #tpu.memory_space<vmem>>, vector<16xi32>,
      tpu.vector_store_idx %arg5[%get3A_18], %broadcast_in_dim3A_8 {add = true} : memref<10240xf32, #tpu.memory_space<vmem>>[vector<16xi32>], vector<16xf32>,
    }
    %scan3A_14 = arith.constant 625 : i32
    "tpu.region"() ({
      %run_scoped3A = tpu.sem_alloc : memref<!tpu.dma_semaphore, #tpu.memory_space<semaphore_mem>>
      %dma_start3A = arith.constant 0 : i32
      %dma_start3A_15 = tpu.memref_slice %arg3[%add3A, %dma_start3A] : memref<32x10240xf32, #tpu.memory_space<hbm>> -> memref<1x10240xf32, #tpu.memory_space<hbm>>
      %dma_start3A_16 = tpu.memref_squeeze %dma_start3A_15 : memref<1x10240xf32, #tpu.memory_space<hbm>> -> memref<10240xf32, #tpu.memory_space<hbm>>
      %dma_start3A_17 = arith.constant 0 : i32
      %dma_start3A_18 = tpu.memref_slice %arg3[%add3A, %dma_start3A_17] : memref<32x10240xf32, #tpu.memory_space<hbm>> -> memref<1x10240xf32, #tpu.memory_space<hbm>>
      %dma_start3A_19 = tpu.memref_squeeze %dma_start3A_18 : memref<1x10240xf32, #tpu.memory_space<hbm>> -> memref<10240xf32, #tpu.memory_space<hbm>>
      tpu.enqueue_dma source(%arg5 : memref<10240xf32, #tpu.memory_space<vmem>>) target(%dma_start3A_19 : memref<10240xf32, #tpu.memory_space<hbm>>) target_semaphore(%run_scoped3A : memref<!tpu.dma_semaphore, #tpu.memory_space<semaphore_mem>>)
      %dma_wait3A = arith.constant 0 : i32
      %dma_wait3A_20 = tpu.memref_slice %arg3[%add3A, %dma_wait3A] : memref<32x10240xf32, #tpu.memory_space<hbm>> -> memref<1x10240xf32, #tpu.memory_space<hbm>>
      %dma_wait3A_21 = tpu.memref_squeeze %dma_wait3A_20 : memref<1x10240xf32, #tpu.memory_space<hbm>> -> memref<10240xf32, #tpu.memory_space<hbm>>
      %dma_wait3A_22 = arith.constant 0 : i32
      %dma_wait3A_23 = tpu.memref_slice %arg3[%add3A, %dma_wait3A_22] : memref<32x10240xf32, #tpu.memory_space<hbm>> -> memref<1x10240xf32, #tpu.memory_space<hbm>>
      %dma_wait3A_24 = tpu.memref_squeeze %dma_wait3A_23 : memref<1x10240xf32, #tpu.memory_space<hbm>> -> memref<10240xf32, #tpu.memory_space<hbm>>
      tpu.wait_dma2 semaphore(%run_scoped3A : memref<!tpu.dma_semaphore, #tpu.memory_space<semaphore_mem>>) src(%arg5 : memref<10240xf32, #tpu.memory_space<vmem>>) dst(%dma_wait3A_24 : memref<10240xf32, #tpu.memory_space<hbm>>)
      tpu.yield
    }) : () -> ()
    return
  }
}

#map = affine_map<(d0, d1) -> (0, 0)>
#map1 = affine_map<(d0, d1) -> (0)>
#map2 = affine_map<(d0, d1) -> (0, 0, 0)>
module attributes {stable_mosaic.version = 14 : i64} {
  func.func @_agg_body(%arg0: i32, %arg1: i32, %arg2: memref<10000x128xf32, #tpu.memory_space<hbm>>, %arg3: memref<320000xi32, #tpu.memory_space<hbm>>, %arg4: memref<320000xi32, #tpu.memory_space<hbm>>, %arg5: memref<640x128xf32, #tpu.memory_space<hbm>>, %arg6: memref<2x10240x128xf32, #tpu.memory_space<hbm>>, %arg7: memref<3x128xi32, #tpu.memory_space<vmem>>, %arg8: memref<2x128xi32, #tpu.memory_space<vmem>>, %arg9: memref<2x128x128xf32, #tpu.memory_space<vmem>>, %arg10: memref<10240x128xf32, #tpu.memory_space<vmem_shared>>, %arg11: memref<16xi32, #tpu.memory_space<vmem>>, %arg12: memref<16xi32, #tpu.memory_space<vmem>>, %arg13: memref<2x!tpu.dma_semaphore, #tpu.memory_space<semaphore_mem>>, %arg14: memref<2x!tpu.dma_semaphore, #tpu.memory_space<semaphore_mem>>, %arg15: memref<3x!tpu.dma_semaphore, #tpu.memory_space<semaphore_mem>>) attributes {dimension_semantics = [#tpu.dimension_semantics<core_parallel>, #tpu.dimension_semantics<subcore_parallel>], iteration_bounds = array<i64: 2, 16>, scalar_prefetch = 0 : i64, scratch_operands = 9 : i64, tpu.core_type = #tpu.core_type<sc_vector_subcore>, window_params = [{transform_indices = #map}, {transform_indices = #map1}, {transform_indices = #map1}, {transform_indices = #map}, {transform_indices = #map2}]} {
    %mul3A = arith.constant 2 : i32
    %mul3A_0 = arith.muli %arg1, %mul3A : i32
    %add3A = arith.addi %mul3A_0, %arg0 : i32
    %mul3A_1 = arith.constant 10000 : i32
    %mul3A_2 = arith.muli %add3A, %mul3A_1 : i32
    %mul3A_3 = arith.constant 640 : i32
    %mul3A_4 = arith.muli %arg1, %mul3A_3 : i32
    "tpu.region"() ({
      %run_scoped3A_165 = tpu.sem_alloc : memref<!tpu.dma_semaphore, #tpu.memory_space<semaphore_mem>>
      %dma_start3A_166 = arith.constant 0 : i32
      %dma_start3A_167 = tpu.memref_slice %arg10[%mul3A_4, %dma_start3A_166] : memref<10240x128xf32, #tpu.memory_space<vmem_shared>> -> memref<640x128xf32, #tpu.memory_space<vmem_shared>>
      tpu.enqueue_dma source(%arg5 : memref<640x128xf32, #tpu.memory_space<hbm>>) target(%dma_start3A_167 : memref<640x128xf32, #tpu.memory_space<vmem_shared>>) target_semaphore(%run_scoped3A_165 : memref<!tpu.dma_semaphore, #tpu.memory_space<semaphore_mem>>)
      %dma_wait3A_168 = arith.constant 0 : i32
      %dma_wait3A_169 = tpu.memref_slice %arg10[%mul3A_4, %dma_wait3A_168] : memref<10240x128xf32, #tpu.memory_space<vmem_shared>> -> memref<640x128xf32, #tpu.memory_space<vmem_shared>>
      tpu.wait_dma2 semaphore(%run_scoped3A_165 : memref<!tpu.dma_semaphore, #tpu.memory_space<semaphore_mem>>) src(%arg5 : memref<640x128xf32, #tpu.memory_space<hbm>>) dst(%dma_wait3A_169 : memref<640x128xf32, #tpu.memory_space<vmem_shared>>)
      tpu.yield
    }) : () -> ()
    %add3A_5 = arith.constant 0 : i32
    %add3A_6 = arith.addi %mul3A_2, %add3A_5 : i32
    %dma_start3A = arith.constant 0 : i32
    %dma_start3A_7 = arith.constant 0 : i32
    %dma_start3A_8 = arith.constant 0 : i32
    %dma_start3A_9 = tpu.memref_slice %arg7[%dma_start3A, %dma_start3A_8] : memref<3x128xi32, #tpu.memory_space<vmem>> -> memref<1x128xi32, #tpu.memory_space<vmem>>
    %dma_start3A_10 = tpu.memref_squeeze %dma_start3A_9 : memref<1x128xi32, #tpu.memory_space<vmem>> -> memref<128xi32, #tpu.memory_space<vmem>>
    %dma_start3A_11 = tpu.memref_slice %arg3[%add3A_6] : memref<320000xi32, #tpu.memory_space<hbm>> -> memref<128xi32, #tpu.memory_space<hbm>>
    %dma_start3A_12 = tpu.memref_slice %arg15[%dma_start3A_7] : memref<3x!tpu.dma_semaphore, #tpu.memory_space<semaphore_mem>> -> memref<1x!tpu.dma_semaphore, #tpu.memory_space<semaphore_mem>>
    %dma_start3A_13 = tpu.memref_squeeze %dma_start3A_12 : memref<1x!tpu.dma_semaphore, #tpu.memory_space<semaphore_mem>> -> memref<!tpu.dma_semaphore, #tpu.memory_space<semaphore_mem>>
    %dma_start3A_14 = arith.constant 0 : i32
    %dma_start3A_15 = tpu.memref_slice %arg7[%dma_start3A, %dma_start3A_14] : memref<3x128xi32, #tpu.memory_space<vmem>> -> memref<1x128xi32, #tpu.memory_space<vmem>>
    %dma_start3A_16 = tpu.memref_squeeze %dma_start3A_15 : memref<1x128xi32, #tpu.memory_space<vmem>> -> memref<128xi32, #tpu.memory_space<vmem>>
    %dma_start3A_17 = tpu.memref_slice %arg3[%add3A_6] : memref<320000xi32, #tpu.memory_space<hbm>> -> memref<128xi32, #tpu.memory_space<hbm>>
    tpu.enqueue_dma source(%dma_start3A_17 : memref<128xi32, #tpu.memory_space<hbm>>) target(%dma_start3A_16 : memref<128xi32, #tpu.memory_space<vmem>>) target_semaphore(%dma_start3A_13 : memref<!tpu.dma_semaphore, #tpu.memory_space<semaphore_mem>>)
    %add3A_18 = arith.constant 128 : i32
    %add3A_19 = arith.addi %mul3A_2, %add3A_18 : i32
    %dma_start3A_20 = arith.constant 1 : i32
    %dma_start3A_21 = arith.constant 1 : i32
    %dma_start3A_22 = arith.constant 0 : i32
    %dma_start3A_23 = tpu.memref_slice %arg7[%dma_start3A_20, %dma_start3A_22] : memref<3x128xi32, #tpu.memory_space<vmem>> -> memref<1x128xi32, #tpu.memory_space<vmem>>
    %dma_start3A_24 = tpu.memref_squeeze %dma_start3A_23 : memref<1x128xi32, #tpu.memory_space<vmem>> -> memref<128xi32, #tpu.memory_space<vmem>>
    %dma_start3A_25 = tpu.memref_slice %arg3[%add3A_19] : memref<320000xi32, #tpu.memory_space<hbm>> -> memref<128xi32, #tpu.memory_space<hbm>>
    %dma_start3A_26 = tpu.memref_slice %arg15[%dma_start3A_21] : memref<3x!tpu.dma_semaphore, #tpu.memory_space<semaphore_mem>> -> memref<1x!tpu.dma_semaphore, #tpu.memory_space<semaphore_mem>>
    %dma_start3A_27 = tpu.memref_squeeze %dma_start3A_26 : memref<1x!tpu.dma_semaphore, #tpu.memory_space<semaphore_mem>> -> memref<!tpu.dma_semaphore, #tpu.memory_space<semaphore_mem>>
    %dma_start3A_28 = arith.constant 0 : i32
    %dma_start3A_29 = tpu.memref_slice %arg7[%dma_start3A_20, %dma_start3A_28] : memref<3x128xi32, #tpu.memory_space<vmem>> -> memref<1x128xi32, #tpu.memory_space<vmem>>
    %dma_start3A_30 = tpu.memref_squeeze %dma_start3A_29 : memref<1x128xi32, #tpu.memory_space<vmem>> -> memref<128xi32, #tpu.memory_space<vmem>>
    %dma_start3A_31 = tpu.memref_slice %arg3[%add3A_19] : memref<320000xi32, #tpu.memory_space<hbm>> -> memref<128xi32, #tpu.memory_space<hbm>>
    tpu.enqueue_dma source(%dma_start3A_31 : memref<128xi32, #tpu.memory_space<hbm>>) target(%dma_start3A_30 : memref<128xi32, #tpu.memory_space<vmem>>) target_semaphore(%dma_start3A_27 : memref<!tpu.dma_semaphore, #tpu.memory_space<semaphore_mem>>)
    %add3A_32 = arith.constant 256 : i32
    %add3A_33 = arith.addi %mul3A_2, %add3A_32 : i32
    %dma_start3A_34 = arith.constant 2 : i32
    %dma_start3A_35 = arith.constant 2 : i32
    %dma_start3A_36 = arith.constant 0 : i32
    %dma_start3A_37 = tpu.memref_slice %arg7[%dma_start3A_34, %dma_start3A_36] : memref<3x128xi32, #tpu.memory_space<vmem>> -> memref<1x128xi32, #tpu.memory_space<vmem>>
    %dma_start3A_38 = tpu.memref_squeeze %dma_start3A_37 : memref<1x128xi32, #tpu.memory_space<vmem>> -> memref<128xi32, #tpu.memory_space<vmem>>
    %dma_start3A_39 = tpu.memref_slice %arg3[%add3A_33] : memref<320000xi32, #tpu.memory_space<hbm>> -> memref<128xi32, #tpu.memory_space<hbm>>
    %dma_start3A_40 = tpu.memref_slice %arg15[%dma_start3A_35] : memref<3x!tpu.dma_semaphore, #tpu.memory_space<semaphore_mem>> -> memref<1x!tpu.dma_semaphore, #tpu.memory_space<semaphore_mem>>
    %dma_start3A_41 = tpu.memref_squeeze %dma_start3A_40 : memref<1x!tpu.dma_semaphore, #tpu.memory_space<semaphore_mem>> -> memref<!tpu.dma_semaphore, #tpu.memory_space<semaphore_mem>>
    %dma_start3A_42 = arith.constant 0 : i32
    %dma_start3A_43 = tpu.memref_slice %arg7[%dma_start3A_34, %dma_start3A_42] : memref<3x128xi32, #tpu.memory_space<vmem>> -> memref<1x128xi32, #tpu.memory_space<vmem>>
    %dma_start3A_44 = tpu.memref_squeeze %dma_start3A_43 : memref<1x128xi32, #tpu.memory_space<vmem>> -> memref<128xi32, #tpu.memory_space<vmem>>
    %dma_start3A_45 = tpu.memref_slice %arg3[%add3A_33] : memref<320000xi32, #tpu.memory_space<hbm>> -> memref<128xi32, #tpu.memory_space<hbm>>
    tpu.enqueue_dma source(%dma_start3A_45 : memref<128xi32, #tpu.memory_space<hbm>>) target(%dma_start3A_44 : memref<128xi32, #tpu.memory_space<vmem>>) target_semaphore(%dma_start3A_41 : memref<!tpu.dma_semaphore, #tpu.memory_space<semaphore_mem>>)
    %add3A_46 = arith.constant 0 : i32
    %add3A_47 = arith.addi %mul3A_2, %add3A_46 : i32
    %dma_start3A_48 = arith.constant 0 : i32
    %dma_start3A_49 = arith.constant 0 : i32
    %dma_start3A_50 = arith.constant 0 : i32
    %dma_start3A_51 = tpu.memref_slice %arg8[%dma_start3A_48, %dma_start3A_50] : memref<2x128xi32, #tpu.memory_space<vmem>> -> memref<1x128xi32, #tpu.memory_space<vmem>>
    %dma_start3A_52 = tpu.memref_squeeze %dma_start3A_51 : memref<1x128xi32, #tpu.memory_space<vmem>> -> memref<128xi32, #tpu.memory_space<vmem>>
    %dma_start3A_53 = tpu.memref_slice %arg4[%add3A_47] : memref<320000xi32, #tpu.memory_space<hbm>> -> memref<128xi32, #tpu.memory_space<hbm>>
    %dma_start3A_54 = tpu.memref_slice %arg14[%dma_start3A_49] : memref<2x!tpu.dma_semaphore, #tpu.memory_space<semaphore_mem>> -> memref<1x!tpu.dma_semaphore, #tpu.memory_space<semaphore_mem>>
    %dma_start3A_55 = tpu.memref_squeeze %dma_start3A_54 : memref<1x!tpu.dma_semaphore, #tpu.memory_space<semaphore_mem>> -> memref<!tpu.dma_semaphore, #tpu.memory_space<semaphore_mem>>
    %dma_start3A_56 = arith.constant 0 : i32
    %dma_start3A_57 = tpu.memref_slice %arg8[%dma_start3A_48, %dma_start3A_56] : memref<2x128xi32, #tpu.memory_space<vmem>> -> memref<1x128xi32, #tpu.memory_space<vmem>>
    %dma_start3A_58 = tpu.memref_squeeze %dma_start3A_57 : memref<1x128xi32, #tpu.memory_space<vmem>> -> memref<128xi32, #tpu.memory_space<vmem>>
    %dma_start3A_59 = tpu.memref_slice %arg4[%add3A_47] : memref<320000xi32, #tpu.memory_space<hbm>> -> memref<128xi32, #tpu.memory_space<hbm>>
    tpu.enqueue_dma source(%dma_start3A_59 : memref<128xi32, #tpu.memory_space<hbm>>) target(%dma_start3A_58 : memref<128xi32, #tpu.memory_space<vmem>>) target_semaphore(%dma_start3A_55 : memref<!tpu.dma_semaphore, #tpu.memory_space<semaphore_mem>>)
    %add3A_60 = arith.constant 0 : i32
    %add3A_61 = arith.addi %mul3A_2, %add3A_60 : i32
    %dma_wait3A = arith.constant 0 : i32
    %dma_wait3A_62 = arith.constant 0 : i32
    %dma_wait3A_63 = arith.constant 0 : i32
    %dma_wait3A_64 = tpu.memref_slice %arg7[%dma_wait3A, %dma_wait3A_63] : memref<3x128xi32, #tpu.memory_space<vmem>> -> memref<1x128xi32, #tpu.memory_space<vmem>>
    %dma_wait3A_65 = tpu.memref_squeeze %dma_wait3A_64 : memref<1x128xi32, #tpu.memory_space<vmem>> -> memref<128xi32, #tpu.memory_space<vmem>>
    %dma_wait3A_66 = tpu.memref_slice %arg3[%add3A_61] : memref<320000xi32, #tpu.memory_space<hbm>> -> memref<128xi32, #tpu.memory_space<hbm>>
    %dma_wait3A_67 = tpu.memref_slice %arg15[%dma_wait3A_62] : memref<3x!tpu.dma_semaphore, #tpu.memory_space<semaphore_mem>> -> memref<1x!tpu.dma_semaphore, #tpu.memory_space<semaphore_mem>>
    %dma_wait3A_68 = tpu.memref_squeeze %dma_wait3A_67 : memref<1x!tpu.dma_semaphore, #tpu.memory_space<semaphore_mem>> -> memref<!tpu.dma_semaphore, #tpu.memory_space<semaphore_mem>>
    %dma_wait3A_69 = arith.constant 0 : i32
    %dma_wait3A_70 = tpu.memref_slice %arg7[%dma_wait3A, %dma_wait3A_69] : memref<3x128xi32, #tpu.memory_space<vmem>> -> memref<1x128xi32, #tpu.memory_space<vmem>>
    %dma_wait3A_71 = tpu.memref_squeeze %dma_wait3A_70 : memref<1x128xi32, #tpu.memory_space<vmem>> -> memref<128xi32, #tpu.memory_space<vmem>>
    %dma_wait3A_72 = tpu.memref_slice %arg3[%add3A_61] : memref<320000xi32, #tpu.memory_space<hbm>> -> memref<128xi32, #tpu.memory_space<hbm>>
    tpu.wait_dma2 semaphore(%dma_wait3A_68 : memref<!tpu.dma_semaphore, #tpu.memory_space<semaphore_mem>>) src(%dma_wait3A_72 : memref<128xi32, #tpu.memory_space<hbm>>) dst(%dma_wait3A_71 : memref<128xi32, #tpu.memory_space<vmem>>)
    %dma_start3A_73 = arith.constant 0 : i32
    %dma_start3A_74 = arith.constant 0 : i32
    %dma_start3A_75 = arith.constant 0 : i32
    %dma_start3A_76 = arith.constant 0 : i32
    %dma_start3A_77 = arith.constant 0 : i32
    %dma_start3A_78 = tpu.memref_slice %arg9[%dma_start3A_74, %dma_start3A_76, %dma_start3A_77] : memref<2x128x128xf32, #tpu.memory_space<vmem>> -> memref<1x128x128xf32, #tpu.memory_space<vmem>>
    %dma_start3A_79 = tpu.memref_squeeze %dma_start3A_78 : memref<1x128x128xf32, #tpu.memory_space<vmem>> -> memref<128x128xf32, #tpu.memory_space<vmem>>
    %dma_start3A_80 = arith.constant 0 : i32
    %dma_start3A_81 = tpu.memref_slice %arg7[%dma_start3A_73, %dma_start3A_80] : memref<3x128xi32, #tpu.memory_space<vmem>> -> memref<1x128xi32, #tpu.memory_space<vmem>>
    %dma_start3A_82 = tpu.memref_squeeze %dma_start3A_81 : memref<1x128xi32, #tpu.memory_space<vmem>> -> memref<128xi32, #tpu.memory_space<vmem>>
    %dma_start3A_83 = arith.constant 0 : i32
    %dma_start3A_84 = arith.constant 0 : i32
    %dma_start3A_85 = tpu.memref_slice %arg2[%dma_start3A_83, %dma_start3A_84] : memref<10000x128xf32, #tpu.memory_space<hbm>> -> memref<10000x128xf32, #tpu.memory_space<hbm>>
    %dma_start3A_86 = tpu.memref_slice %arg13[%dma_start3A_75] : memref<2x!tpu.dma_semaphore, #tpu.memory_space<semaphore_mem>> -> memref<1x!tpu.dma_semaphore, #tpu.memory_space<semaphore_mem>>
    %dma_start3A_87 = tpu.memref_squeeze %dma_start3A_86 : memref<1x!tpu.dma_semaphore, #tpu.memory_space<semaphore_mem>> -> memref<!tpu.dma_semaphore, #tpu.memory_space<semaphore_mem>>
    tpu.enqueue_indirect_dma source(%dma_start3A_85 : memref<10000x128xf32, #tpu.memory_space<hbm>>) target(%dma_start3A_79 : memref<128x128xf32, #tpu.memory_space<vmem>>) offsets(%dma_start3A_82 : memref<128xi32, #tpu.memory_space<vmem>>) semaphore(%dma_start3A_87 : memref<!tpu.dma_semaphore, #tpu.memory_space<semaphore_mem>>)
    %add3A_88 = arith.constant 128 : i32
    %add3A_89 = arith.addi %mul3A_2, %add3A_88 : i32
    %dma_start3A_90 = arith.constant 1 : i32
    %dma_start3A_91 = arith.constant 1 : i32
    %dma_start3A_92 = arith.constant 0 : i32
    %dma_start3A_93 = tpu.memref_slice %arg8[%dma_start3A_90, %dma_start3A_92] : memref<2x128xi32, #tpu.memory_space<vmem>> -> memref<1x128xi32, #tpu.memory_space<vmem>>
    %dma_start3A_94 = tpu.memref_squeeze %dma_start3A_93 : memref<1x128xi32, #tpu.memory_space<vmem>> -> memref<128xi32, #tpu.memory_space<vmem>>
    %dma_start3A_95 = tpu.memref_slice %arg4[%add3A_89] : memref<320000xi32, #tpu.memory_space<hbm>> -> memref<128xi32, #tpu.memory_space<hbm>>
    %dma_start3A_96 = tpu.memref_slice %arg14[%dma_start3A_91] : memref<2x!tpu.dma_semaphore, #tpu.memory_space<semaphore_mem>> -> memref<1x!tpu.dma_semaphore, #tpu.memory_space<semaphore_mem>>
    %dma_start3A_97 = tpu.memref_squeeze %dma_start3A_96 : memref<1x!tpu.dma_semaphore, #tpu.memory_space<semaphore_mem>> -> memref<!tpu.dma_semaphore, #tpu.memory_space<semaphore_mem>>
    %dma_start3A_98 = arith.constant 0 : i32
    %dma_start3A_99 = tpu.memref_slice %arg8[%dma_start3A_90, %dma_start3A_98] : memref<2x128xi32, #tpu.memory_space<vmem>> -> memref<1x128xi32, #tpu.memory_space<vmem>>
    %dma_start3A_100 = tpu.memref_squeeze %dma_start3A_99 : memref<1x128xi32, #tpu.memory_space<vmem>> -> memref<128xi32, #tpu.memory_space<vmem>>
    %dma_start3A_101 = tpu.memref_slice %arg4[%add3A_89] : memref<320000xi32, #tpu.memory_space<hbm>> -> memref<128xi32, #tpu.memory_space<hbm>>
    tpu.enqueue_dma source(%dma_start3A_101 : memref<128xi32, #tpu.memory_space<hbm>>) target(%dma_start3A_100 : memref<128xi32, #tpu.memory_space<vmem>>) target_semaphore(%dma_start3A_97 : memref<!tpu.dma_semaphore, #tpu.memory_space<semaphore_mem>>)
    %add3A_102 = arith.constant 128 : i32
    %add3A_103 = arith.addi %mul3A_2, %add3A_102 : i32
    %dma_wait3A_104 = arith.constant 1 : i32
    %dma_wait3A_105 = arith.constant 1 : i32
    %dma_wait3A_106 = arith.constant 0 : i32
    %dma_wait3A_107 = tpu.memref_slice %arg7[%dma_wait3A_104, %dma_wait3A_106] : memref<3x128xi32, #tpu.memory_space<vmem>> -> memref<1x128xi32, #tpu.memory_space<vmem>>
    %dma_wait3A_108 = tpu.memref_squeeze %dma_wait3A_107 : memref<1x128xi32, #tpu.memory_space<vmem>> -> memref<128xi32, #tpu.memory_space<vmem>>
    %dma_wait3A_109 = tpu.memref_slice %arg3[%add3A_103] : memref<320000xi32, #tpu.memory_space<hbm>> -> memref<128xi32, #tpu.memory_space<hbm>>
    %dma_wait3A_110 = tpu.memref_slice %arg15[%dma_wait3A_105] : memref<3x!tpu.dma_semaphore, #tpu.memory_space<semaphore_mem>> -> memref<1x!tpu.dma_semaphore, #tpu.memory_space<semaphore_mem>>
    %dma_wait3A_111 = tpu.memref_squeeze %dma_wait3A_110 : memref<1x!tpu.dma_semaphore, #tpu.memory_space<semaphore_mem>> -> memref<!tpu.dma_semaphore, #tpu.memory_space<semaphore_mem>>
    %dma_wait3A_112 = arith.constant 0 : i32
    %dma_wait3A_113 = tpu.memref_slice %arg7[%dma_wait3A_104, %dma_wait3A_112] : memref<3x128xi32, #tpu.memory_space<vmem>> -> memref<1x128xi32, #tpu.memory_space<vmem>>
    %dma_wait3A_114 = tpu.memref_squeeze %dma_wait3A_113 : memref<1x128xi32, #tpu.memory_space<vmem>> -> memref<128xi32, #tpu.memory_space<vmem>>
    %dma_wait3A_115 = tpu.memref_slice %arg3[%add3A_103] : memref<320000xi32, #tpu.memory_space<hbm>> -> memref<128xi32, #tpu.memory_space<hbm>>
    tpu.wait_dma2 semaphore(%dma_wait3A_111 : memref<!tpu.dma_semaphore, #tpu.memory_space<semaphore_mem>>) src(%dma_wait3A_115 : memref<128xi32, #tpu.memory_space<hbm>>) dst(%dma_wait3A_114 : memref<128xi32, #tpu.memory_space<vmem>>)
    %dma_start3A_116 = arith.constant 1 : i32
    %dma_start3A_117 = arith.constant 1 : i32
    %dma_start3A_118 = arith.constant 1 : i32
    %dma_start3A_119 = arith.constant 0 : i32
    %dma_start3A_120 = arith.constant 0 : i32
    %dma_start3A_121 = tpu.memref_slice %arg9[%dma_start3A_117, %dma_start3A_119, %dma_start3A_120] : memref<2x128x128xf32, #tpu.memory_space<vmem>> -> memref<1x128x128xf32, #tpu.memory_space<vmem>>
    %dma_start3A_122 = tpu.memref_squeeze %dma_start3A_121 : memref<1x128x128xf32, #tpu.memory_space<vmem>> -> memref<128x128xf32, #tpu.memory_space<vmem>>
    %dma_start3A_123 = arith.constant 0 : i32
    %dma_start3A_124 = tpu.memref_slice %arg7[%dma_start3A_116, %dma_start3A_123] : memref<3x128xi32, #tpu.memory_space<vmem>> -> memref<1x128xi32, #tpu.memory_space<vmem>>
    %dma_start3A_125 = tpu.memref_squeeze %dma_start3A_124 : memref<1x128xi32, #tpu.memory_space<vmem>> -> memref<128xi32, #tpu.memory_space<vmem>>
    %dma_start3A_126 = arith.constant 0 : i32
    %dma_start3A_127 = arith.constant 0 : i32
    %dma_start3A_128 = tpu.memref_slice %arg2[%dma_start3A_126, %dma_start3A_127] : memref<10000x128xf32, #tpu.memory_space<hbm>> -> memref<10000x128xf32, #tpu.memory_space<hbm>>
    %dma_start3A_129 = tpu.memref_slice %arg13[%dma_start3A_118] : memref<2x!tpu.dma_semaphore, #tpu.memory_space<semaphore_mem>> -> memref<1x!tpu.dma_semaphore, #tpu.memory_space<semaphore_mem>>
    %dma_start3A_130 = tpu.memref_squeeze %dma_start3A_129 : memref<1x!tpu.dma_semaphore, #tpu.memory_space<semaphore_mem>> -> memref<!tpu.dma_semaphore, #tpu.memory_space<semaphore_mem>>
    tpu.enqueue_indirect_dma source(%dma_start3A_128 : memref<10000x128xf32, #tpu.memory_space<hbm>>) target(%dma_start3A_122 : memref<128x128xf32, #tpu.memory_space<vmem>>) offsets(%dma_start3A_125 : memref<128xi32, #tpu.memory_space<vmem>>) semaphore(%dma_start3A_130 : memref<!tpu.dma_semaphore, #tpu.memory_space<semaphore_mem>>)
    %barrier3A = arith.constant 0 : index
    tpu.barrier barrier_id(%barrier3A)
    %scan3A = arith.constant 0 : i32
    %scan3A_131 = arith.constant 0 : i32
    %scan3A_132 = arith.constant 78 : i32
    %scan3A_133 = arith.addi %scan3A_131, %scan3A_132 : i32
    %scan3A_134 = arith.constant 1 : i32
    scf.for %scan3A_165 = %scan3A_131 to %scan3A_133 step %scan3A_134  : i32 {
      %rem3A = arith.constant 2 : i32
      %rem3A_166 = arith.remsi %scan3A_165, %rem3A : i32
      %add3A_167 = arith.constant 2 : i32
      %add3A_168 = arith.addi %scan3A_165, %add3A_167 : i32
      %rem3A_169 = arith.constant 3 : i32
      %rem3A_170 = arith.remsi %add3A_168, %rem3A_169 : i32
      %rem3A_171 = arith.constant 3 : i32
      %rem3A_172 = arith.remsi %scan3A_165, %rem3A_171 : i32
      %dma_wait3A_173 = arith.constant 0 : i32
      %dma_wait3A_174 = arith.constant 0 : i32
      %dma_wait3A_175 = tpu.memref_slice %arg9[%rem3A_166, %dma_wait3A_173, %dma_wait3A_174] : memref<2x128x128xf32, #tpu.memory_space<vmem>> -> memref<1x128x128xf32, #tpu.memory_space<vmem>>
      %dma_wait3A_176 = tpu.memref_squeeze %dma_wait3A_175 : memref<1x128x128xf32, #tpu.memory_space<vmem>> -> memref<128x128xf32, #tpu.memory_space<vmem>>
      %dma_wait3A_177 = arith.constant 0 : i32
      %dma_wait3A_178 = tpu.memref_slice %arg7[%rem3A_172, %dma_wait3A_177] : memref<3x128xi32, #tpu.memory_space<vmem>> -> memref<1x128xi32, #tpu.memory_space<vmem>>
      %dma_wait3A_179 = tpu.memref_squeeze %dma_wait3A_178 : memref<1x128xi32, #tpu.memory_space<vmem>> -> memref<128xi32, #tpu.memory_space<vmem>>
      %dma_wait3A_180 = arith.constant 0 : i32
      %dma_wait3A_181 = arith.constant 0 : i32
      %dma_wait3A_182 = tpu.memref_slice %arg2[%dma_wait3A_180, %dma_wait3A_181] : memref<10000x128xf32, #tpu.memory_space<hbm>> -> memref<10000x128xf32, #tpu.memory_space<hbm>>
      %dma_wait3A_183 = tpu.memref_slice %arg13[%rem3A_166] : memref<2x!tpu.dma_semaphore, #tpu.memory_space<semaphore_mem>> -> memref<1x!tpu.dma_semaphore, #tpu.memory_space<semaphore_mem>>
      %dma_wait3A_184 = tpu.memref_squeeze %dma_wait3A_183 : memref<1x!tpu.dma_semaphore, #tpu.memory_space<semaphore_mem>> -> memref<!tpu.dma_semaphore, #tpu.memory_space<semaphore_mem>>
      tpu.wait_indirect_dma semaphore(%dma_wait3A_184 : memref<!tpu.dma_semaphore, #tpu.memory_space<semaphore_mem>>) src(%dma_wait3A_182 : memref<10000x128xf32, #tpu.memory_space<hbm>>) dst(%dma_wait3A_176 : memref<128x128xf32, #tpu.memory_space<vmem>>)
      %mul3A_185 = arith.constant 128 : i32
      %mul3A_186 = arith.muli %scan3A_165, %mul3A_185 : i32
      %add3A_187 = arith.addi %mul3A_2, %mul3A_186 : i32
      %dma_wait3A_188 = arith.constant 0 : i32
      %dma_wait3A_189 = tpu.memref_slice %arg8[%rem3A_166, %dma_wait3A_188] : memref<2x128xi32, #tpu.memory_space<vmem>> -> memref<1x128xi32, #tpu.memory_space<vmem>>
      %dma_wait3A_190 = tpu.memref_squeeze %dma_wait3A_189 : memref<1x128xi32, #tpu.memory_space<vmem>> -> memref<128xi32, #tpu.memory_space<vmem>>
      %dma_wait3A_191 = tpu.memref_slice %arg4[%add3A_187] : memref<320000xi32, #tpu.memory_space<hbm>> -> memref<128xi32, #tpu.memory_space<hbm>>
      %dma_wait3A_192 = tpu.memref_slice %arg14[%rem3A_166] : memref<2x!tpu.dma_semaphore, #tpu.memory_space<semaphore_mem>> -> memref<1x!tpu.dma_semaphore, #tpu.memory_space<semaphore_mem>>
      %dma_wait3A_193 = tpu.memref_squeeze %dma_wait3A_192 : memref<1x!tpu.dma_semaphore, #tpu.memory_space<semaphore_mem>> -> memref<!tpu.dma_semaphore, #tpu.memory_space<semaphore_mem>>
      %dma_wait3A_194 = arith.constant 0 : i32
      %dma_wait3A_195 = tpu.memref_slice %arg8[%rem3A_166, %dma_wait3A_194] : memref<2x128xi32, #tpu.memory_space<vmem>> -> memref<1x128xi32, #tpu.memory_space<vmem>>
      %dma_wait3A_196 = tpu.memref_squeeze %dma_wait3A_195 : memref<1x128xi32, #tpu.memory_space<vmem>> -> memref<128xi32, #tpu.memory_space<vmem>>
      %dma_wait3A_197 = tpu.memref_slice %arg4[%add3A_187] : memref<320000xi32, #tpu.memory_space<hbm>> -> memref<128xi32, #tpu.memory_space<hbm>>
      tpu.wait_dma2 semaphore(%dma_wait3A_193 : memref<!tpu.dma_semaphore, #tpu.memory_space<semaphore_mem>>) src(%dma_wait3A_197 : memref<128xi32, #tpu.memory_space<hbm>>) dst(%dma_wait3A_196 : memref<128xi32, #tpu.memory_space<vmem>>)
      "tpu.region"() ({
        %run_scoped3A_209 = tpu.sem_alloc : memref<!tpu.dma_semaphore, #tpu.memory_space<semaphore_mem>>
        %dma_start3A_210 = arith.constant 0 : i32
        %dma_start3A_211 = arith.constant 0 : i32
        %dma_start3A_212 = tpu.memref_slice %arg9[%rem3A_166, %dma_start3A_210, %dma_start3A_211] : memref<2x128x128xf32, #tpu.memory_space<vmem>> -> memref<1x128x128xf32, #tpu.memory_space<vmem>>
        %dma_start3A_213 = tpu.memref_squeeze %dma_start3A_212 : memref<1x128x128xf32, #tpu.memory_space<vmem>> -> memref<128x128xf32, #tpu.memory_space<vmem>>
        %dma_start3A_214 = arith.constant 0 : i32
        %dma_start3A_215 = tpu.memref_slice %arg8[%rem3A_166, %dma_start3A_214] : memref<2x128xi32, #tpu.memory_space<vmem>> -> memref<1x128xi32, #tpu.memory_space<vmem>>
        %dma_start3A_216 = tpu.memref_squeeze %dma_start3A_215 : memref<1x128xi32, #tpu.memory_space<vmem>> -> memref<128xi32, #tpu.memory_space<vmem>>
        %dma_start3A_217 = arith.constant 0 : i32
        %dma_start3A_218 = arith.constant 0 : i32
        %dma_start3A_219 = tpu.memref_slice %arg10[%dma_start3A_217, %dma_start3A_218] : memref<10240x128xf32, #tpu.memory_space<vmem_shared>> -> memref<10240x128xf32, #tpu.memory_space<vmem_shared>>
        tpu.enqueue_indirect_dma source(%dma_start3A_213 : memref<128x128xf32, #tpu.memory_space<vmem>>) target(%dma_start3A_219 : memref<10240x128xf32, #tpu.memory_space<vmem_shared>>) offsets(%dma_start3A_216 : memref<128xi32, #tpu.memory_space<vmem>>) semaphore(%run_scoped3A_209 : memref<!tpu.dma_semaphore, #tpu.memory_space<semaphore_mem>>) {add = true}
        %dma_wait3A_220 = arith.constant 0 : i32
        %dma_wait3A_221 = arith.constant 0 : i32
        %dma_wait3A_222 = tpu.memref_slice %arg9[%rem3A_166, %dma_wait3A_220, %dma_wait3A_221] : memref<2x128x128xf32, #tpu.memory_space<vmem>> -> memref<1x128x128xf32, #tpu.memory_space<vmem>>
        %dma_wait3A_223 = tpu.memref_squeeze %dma_wait3A_222 : memref<1x128x128xf32, #tpu.memory_space<vmem>> -> memref<128x128xf32, #tpu.memory_space<vmem>>
        %dma_wait3A_224 = arith.constant 0 : i32
        %dma_wait3A_225 = tpu.memref_slice %arg8[%rem3A_166, %dma_wait3A_224] : memref<2x128xi32, #tpu.memory_space<vmem>> -> memref<1x128xi32, #tpu.memory_space<vmem>>
        %dma_wait3A_226 = tpu.memref_squeeze %dma_wait3A_225 : memref<1x128xi32, #tpu.memory_space<vmem>> -> memref<128xi32, #tpu.memory_space<vmem>>
        %dma_wait3A_227 = arith.constant 0 : i32
        %dma_wait3A_228 = arith.constant 0 : i32
        %dma_wait3A_229 = tpu.memref_slice %arg10[%dma_wait3A_227, %dma_wait3A_228] : memref<10240x128xf32, #tpu.memory_space<vmem_shared>> -> memref<10240x128xf32, #tpu.memory_space<vmem_shared>>
        tpu.wait_indirect_dma semaphore(%run_scoped3A_209 : memref<!tpu.dma_semaphore, #tpu.memory_space<semaphore_mem>>) src(%dma_wait3A_223 : memref<128x128xf32, #tpu.memory_space<vmem>>) dst(%dma_wait3A_229 : memref<10240x128xf32, #tpu.memory_space<vmem_shared>>)
        tpu.yield
      }) : () -> ()
      %add3A_198 = arith.constant 2 : i32
      %add3A_199 = arith.addi %scan3A_165, %add3A_198 : i32
      %lt3A = arith.constant 78 : i32
      %lt3A_200 = arith.cmpi slt, %add3A_199, %lt3A : i32
      %convert_element_type3A = arith.extui %lt3A_200 : i1 to i32
      %cond3A = arith.constant 0 : i32
      %cond3A_201 = arith.cmpi ne, %convert_element_type3A, %cond3A : i32
      scf.if %cond3A_201 {
        %add3A_209 = arith.constant 2 : i32
        %add3A_210 = arith.addi %scan3A_165, %add3A_209 : i32
        %mul3A_211 = arith.constant 128 : i32
        %mul3A_212 = arith.muli %add3A_210, %mul3A_211 : i32
        %add3A_213 = arith.addi %mul3A_2, %mul3A_212 : i32
        %dma_wait3A_214 = arith.constant 0 : i32
        %dma_wait3A_215 = tpu.memref_slice %arg7[%rem3A_170, %dma_wait3A_214] : memref<3x128xi32, #tpu.memory_space<vmem>> -> memref<1x128xi32, #tpu.memory_space<vmem>>
        %dma_wait3A_216 = tpu.memref_squeeze %dma_wait3A_215 : memref<1x128xi32, #tpu.memory_space<vmem>> -> memref<128xi32, #tpu.memory_space<vmem>>
        %dma_wait3A_217 = tpu.memref_slice %arg3[%add3A_213] : memref<320000xi32, #tpu.memory_space<hbm>> -> memref<128xi32, #tpu.memory_space<hbm>>
        %dma_wait3A_218 = tpu.memref_slice %arg15[%rem3A_170] : memref<3x!tpu.dma_semaphore, #tpu.memory_space<semaphore_mem>> -> memref<1x!tpu.dma_semaphore, #tpu.memory_space<semaphore_mem>>
        %dma_wait3A_219 = tpu.memref_squeeze %dma_wait3A_218 : memref<1x!tpu.dma_semaphore, #tpu.memory_space<semaphore_mem>> -> memref<!tpu.dma_semaphore, #tpu.memory_space<semaphore_mem>>
        %dma_wait3A_220 = arith.constant 0 : i32
        %dma_wait3A_221 = tpu.memref_slice %arg7[%rem3A_170, %dma_wait3A_220] : memref<3x128xi32, #tpu.memory_space<vmem>> -> memref<1x128xi32, #tpu.memory_space<vmem>>
        %dma_wait3A_222 = tpu.memref_squeeze %dma_wait3A_221 : memref<1x128xi32, #tpu.memory_space<vmem>> -> memref<128xi32, #tpu.memory_space<vmem>>
        %dma_wait3A_223 = tpu.memref_slice %arg3[%add3A_213] : memref<320000xi32, #tpu.memory_space<hbm>> -> memref<128xi32, #tpu.memory_space<hbm>>
        tpu.wait_dma2 semaphore(%dma_wait3A_219 : memref<!tpu.dma_semaphore, #tpu.memory_space<semaphore_mem>>) src(%dma_wait3A_223 : memref<128xi32, #tpu.memory_space<hbm>>) dst(%dma_wait3A_222 : memref<128xi32, #tpu.memory_space<vmem>>)
        %add3A_224 = arith.constant 2 : i32
        %add3A_225 = arith.addi %scan3A_165, %add3A_224 : i32
        %mul3A_226 = arith.constant 128 : i32
        %mul3A_227 = arith.muli %add3A_225, %mul3A_226 : i32
        %add3A_228 = arith.addi %mul3A_2, %mul3A_227 : i32
        %dma_start3A_229 = arith.constant 0 : i32
        %dma_start3A_230 = tpu.memref_slice %arg8[%rem3A_166, %dma_start3A_229] : memref<2x128xi32, #tpu.memory_space<vmem>> -> memref<1x128xi32, #tpu.memory_space<vmem>>
        %dma_start3A_231 = tpu.memref_squeeze %dma_start3A_230 : memref<1x128xi32, #tpu.memory_space<vmem>> -> memref<128xi32, #tpu.memory_space<vmem>>
        %dma_start3A_232 = tpu.memref_slice %arg4[%add3A_228] : memref<320000xi32, #tpu.memory_space<hbm>> -> memref<128xi32, #tpu.memory_space<hbm>>
        %dma_start3A_233 = tpu.memref_slice %arg14[%rem3A_166] : memref<2x!tpu.dma_semaphore, #tpu.memory_space<semaphore_mem>> -> memref<1x!tpu.dma_semaphore, #tpu.memory_space<semaphore_mem>>
        %dma_start3A_234 = tpu.memref_squeeze %dma_start3A_233 : memref<1x!tpu.dma_semaphore, #tpu.memory_space<semaphore_mem>> -> memref<!tpu.dma_semaphore, #tpu.memory_space<semaphore_mem>>
        %dma_start3A_235 = arith.constant 0 : i32
        %dma_start3A_236 = tpu.memref_slice %arg8[%rem3A_166, %dma_start3A_235] : memref<2x128xi32, #tpu.memory_space<vmem>> -> memref<1x128xi32, #tpu.memory_space<vmem>>
        %dma_start3A_237 = tpu.memref_squeeze %dma_start3A_236 : memref<1x128xi32, #tpu.memory_space<vmem>> -> memref<128xi32, #tpu.memory_space<vmem>>
        %dma_start3A_238 = tpu.memref_slice %arg4[%add3A_228] : memref<320000xi32, #tpu.memory_space<hbm>> -> memref<128xi32, #tpu.memory_space<hbm>>
        tpu.enqueue_dma source(%dma_start3A_238 : memref<128xi32, #tpu.memory_space<hbm>>) target(%dma_start3A_237 : memref<128xi32, #tpu.memory_space<vmem>>) target_semaphore(%dma_start3A_234 : memref<!tpu.dma_semaphore, #tpu.memory_space<semaphore_mem>>)
        %dma_start3A_239 = arith.constant 0 : i32
        %dma_start3A_240 = arith.constant 0 : i32
        %dma_start3A_241 = tpu.memref_slice %arg9[%rem3A_166, %dma_start3A_239, %dma_start3A_240] : memref<2x128x128xf32, #tpu.memory_space<vmem>> -> memref<1x128x128xf32, #tpu.memory_space<vmem>>
        %dma_start3A_242 = tpu.memref_squeeze %dma_start3A_241 : memref<1x128x128xf32, #tpu.memory_space<vmem>> -> memref<128x128xf32, #tpu.memory_space<vmem>>
        %dma_start3A_243 = arith.constant 0 : i32
        %dma_start3A_244 = tpu.memref_slice %arg7[%rem3A_170, %dma_start3A_243] : memref<3x128xi32, #tpu.memory_space<vmem>> -> memref<1x128xi32, #tpu.memory_space<vmem>>
        %dma_start3A_245 = tpu.memref_squeeze %dma_start3A_244 : memref<1x128xi32, #tpu.memory_space<vmem>> -> memref<128xi32, #tpu.memory_space<vmem>>
        %dma_start3A_246 = arith.constant 0 : i32
        %dma_start3A_247 = arith.constant 0 : i32
        %dma_start3A_248 = tpu.memref_slice %arg2[%dma_start3A_246, %dma_start3A_247] : memref<10000x128xf32, #tpu.memory_space<hbm>> -> memref<10000x128xf32, #tpu.memory_space<hbm>>
        %dma_start3A_249 = tpu.memref_slice %arg13[%rem3A_166] : memref<2x!tpu.dma_semaphore, #tpu.memory_space<semaphore_mem>> -> memref<1x!tpu.dma_semaphore, #tpu.memory_space<semaphore_mem>>
        %dma_start3A_250 = tpu.memref_squeeze %dma_start3A_249 : memref<1x!tpu.dma_semaphore, #tpu.memory_space<semaphore_mem>> -> memref<!tpu.dma_semaphore, #tpu.memory_space<semaphore_mem>>
        tpu.enqueue_indirect_dma source(%dma_start3A_248 : memref<10000x128xf32, #tpu.memory_space<hbm>>) target(%dma_start3A_242 : memref<128x128xf32, #tpu.memory_space<vmem>>) offsets(%dma_start3A_245 : memref<128xi32, #tpu.memory_space<vmem>>) semaphore(%dma_start3A_250 : memref<!tpu.dma_semaphore, #tpu.memory_space<semaphore_mem>>)
      } else {
      }
      %add3A_202 = arith.constant 3 : i32
      %add3A_203 = arith.addi %scan3A_165, %add3A_202 : i32
      %lt3A_204 = arith.constant 78 : i32
      %lt3A_205 = arith.cmpi slt, %add3A_203, %lt3A_204 : i32
      %convert_element_type3A_206 = arith.extui %lt3A_205 : i1 to i32
      %cond3A_207 = arith.constant 0 : i32
      %cond3A_208 = arith.cmpi ne, %convert_element_type3A_206, %cond3A_207 : i32
      scf.if %cond3A_208 {
        %add3A_209 = arith.constant 3 : i32
        %add3A_210 = arith.addi %scan3A_165, %add3A_209 : i32
        %rem3A_211 = arith.constant 3 : i32
        %rem3A_212 = arith.remsi %add3A_210, %rem3A_211 : i32
        %add3A_213 = arith.constant 3 : i32
        %add3A_214 = arith.addi %scan3A_165, %add3A_213 : i32
        %mul3A_215 = arith.constant 128 : i32
        %mul3A_216 = arith.muli %add3A_214, %mul3A_215 : i32
        %add3A_217 = arith.addi %mul3A_2, %mul3A_216 : i32
        %dma_start3A_218 = arith.constant 0 : i32
        %dma_start3A_219 = tpu.memref_slice %arg7[%rem3A_212, %dma_start3A_218] : memref<3x128xi32, #tpu.memory_space<vmem>> -> memref<1x128xi32, #tpu.memory_space<vmem>>
        %dma_start3A_220 = tpu.memref_squeeze %dma_start3A_219 : memref<1x128xi32, #tpu.memory_space<vmem>> -> memref<128xi32, #tpu.memory_space<vmem>>
        %dma_start3A_221 = tpu.memref_slice %arg3[%add3A_217] : memref<320000xi32, #tpu.memory_space<hbm>> -> memref<128xi32, #tpu.memory_space<hbm>>
        %dma_start3A_222 = tpu.memref_slice %arg15[%rem3A_212] : memref<3x!tpu.dma_semaphore, #tpu.memory_space<semaphore_mem>> -> memref<1x!tpu.dma_semaphore, #tpu.memory_space<semaphore_mem>>
        %dma_start3A_223 = tpu.memref_squeeze %dma_start3A_222 : memref<1x!tpu.dma_semaphore, #tpu.memory_space<semaphore_mem>> -> memref<!tpu.dma_semaphore, #tpu.memory_space<semaphore_mem>>
        %dma_start3A_224 = arith.constant 0 : i32
        %dma_start3A_225 = tpu.memref_slice %arg7[%rem3A_212, %dma_start3A_224] : memref<3x128xi32, #tpu.memory_space<vmem>> -> memref<1x128xi32, #tpu.memory_space<vmem>>
        %dma_start3A_226 = tpu.memref_squeeze %dma_start3A_225 : memref<1x128xi32, #tpu.memory_space<vmem>> -> memref<128xi32, #tpu.memory_space<vmem>>
        %dma_start3A_227 = tpu.memref_slice %arg3[%add3A_217] : memref<320000xi32, #tpu.memory_space<hbm>> -> memref<128xi32, #tpu.memory_space<hbm>>
        tpu.enqueue_dma source(%dma_start3A_227 : memref<128xi32, #tpu.memory_space<hbm>>) target(%dma_start3A_226 : memref<128xi32, #tpu.memory_space<vmem>>) target_semaphore(%dma_start3A_223 : memref<!tpu.dma_semaphore, #tpu.memory_space<semaphore_mem>>)
      } else {
      }
    }
    %scan3A_135 = arith.constant 78 : i32
    %add3A_136 = arith.constant 9984 : i32
    %add3A_137 = arith.addi %mul3A_2, %add3A_136 : i32
    "tpu.region"() ({
      %run_scoped3A_165 = tpu.sem_alloc : memref<!tpu.dma_semaphore, #tpu.memory_space<semaphore_mem>>
      %dma_start3A_166 = tpu.memref_slice %arg3[%add3A_137] : memref<320000xi32, #tpu.memory_space<hbm>> -> memref<16xi32, #tpu.memory_space<hbm>>
      %dma_start3A_167 = tpu.memref_slice %arg3[%add3A_137] : memref<320000xi32, #tpu.memory_space<hbm>> -> memref<16xi32, #tpu.memory_space<hbm>>
      tpu.enqueue_dma source(%dma_start3A_167 : memref<16xi32, #tpu.memory_space<hbm>>) target(%arg11 : memref<16xi32, #tpu.memory_space<vmem>>) target_semaphore(%run_scoped3A_165 : memref<!tpu.dma_semaphore, #tpu.memory_space<semaphore_mem>>)
      %dma_wait3A_168 = tpu.memref_slice %arg3[%add3A_137] : memref<320000xi32, #tpu.memory_space<hbm>> -> memref<16xi32, #tpu.memory_space<hbm>>
      %dma_wait3A_169 = tpu.memref_slice %arg3[%add3A_137] : memref<320000xi32, #tpu.memory_space<hbm>> -> memref<16xi32, #tpu.memory_space<hbm>>
      tpu.wait_dma2 semaphore(%run_scoped3A_165 : memref<!tpu.dma_semaphore, #tpu.memory_space<semaphore_mem>>) src(%dma_wait3A_169 : memref<16xi32, #tpu.memory_space<hbm>>) dst(%arg11 : memref<16xi32, #tpu.memory_space<vmem>>)
      tpu.yield
    }) : () -> ()
    %dma_start3A_138 = arith.constant 0 : i32
    %dma_start3A_139 = arith.constant 0 : i32
    %dma_start3A_140 = arith.constant 0 : i32
    %dma_start3A_141 = arith.constant 0 : i32
    %dma_start3A_142 = tpu.memref_slice %arg9[%dma_start3A_138, %dma_start3A_140, %dma_start3A_141] : memref<2x128x128xf32, #tpu.memory_space<vmem>> -> memref<1x16x128xf32, #tpu.memory_space<vmem>>
    %dma_start3A_143 = tpu.memref_squeeze %dma_start3A_142 : memref<1x16x128xf32, #tpu.memory_space<vmem>> -> memref<16x128xf32, #tpu.memory_space<vmem>>
    %dma_start3A_144 = arith.constant 0 : i32
    %dma_start3A_145 = arith.constant 0 : i32
    %dma_start3A_146 = tpu.memref_slice %arg2[%dma_start3A_144, %dma_start3A_145] : memref<10000x128xf32, #tpu.memory_space<hbm>> -> memref<10000x128xf32, #tpu.memory_space<hbm>>
    %dma_start3A_147 = tpu.memref_slice %arg13[%dma_start3A_139] : memref<2x!tpu.dma_semaphore, #tpu.memory_space<semaphore_mem>> -> memref<1x!tpu.dma_semaphore, #tpu.memory_space<semaphore_mem>>
    %dma_start3A_148 = tpu.memref_squeeze %dma_start3A_147 : memref<1x!tpu.dma_semaphore, #tpu.memory_space<semaphore_mem>> -> memref<!tpu.dma_semaphore, #tpu.memory_space<semaphore_mem>>
    tpu.enqueue_indirect_dma source(%dma_start3A_146 : memref<10000x128xf32, #tpu.memory_space<hbm>>) target(%dma_start3A_143 : memref<16x128xf32, #tpu.memory_space<vmem>>) offsets(%arg11 : memref<16xi32, #tpu.memory_space<vmem>>) semaphore(%dma_start3A_148 : memref<!tpu.dma_semaphore, #tpu.memory_space<semaphore_mem>>)
    %dma_wait3A_149 = arith.constant 0 : i32
    %dma_wait3A_150 = arith.constant 0 : i32
    %dma_wait3A_151 = arith.constant 0 : i32
    %dma_wait3A_152 = arith.constant 0 : i32
    %dma_wait3A_153 = tpu.memref_slice %arg9[%dma_wait3A_149, %dma_wait3A_151, %dma_wait3A_152] : memref<2x128x128xf32, #tpu.memory_space<vmem>> -> memref<1x16x128xf32, #tpu.memory_space<vmem>>
    %dma_wait3A_154 = tpu.memref_squeeze %dma_wait3A_153 : memref<1x16x128xf32, #tpu.memory_space<vmem>> -> memref<16x128xf32, #tpu.memory_space<vmem>>
    %dma_wait3A_155 = arith.constant 0 : i32
    %dma_wait3A_156 = arith.constant 0 : i32
    %dma_wait3A_157 = tpu.memref_slice %arg2[%dma_wait3A_155, %dma_wait3A_156] : memref<10000x128xf32, #tpu.memory_space<hbm>> -> memref<10000x128xf32, #tpu.memory_space<hbm>>
    %dma_wait3A_158 = tpu.memref_slice %arg13[%dma_wait3A_150] : memref<2x!tpu.dma_semaphore, #tpu.memory_space<semaphore_mem>> -> memref<1x!tpu.dma_semaphore, #tpu.memory_space<semaphore_mem>>
    %dma_wait3A_159 = tpu.memref_squeeze %dma_wait3A_158 : memref<1x!tpu.dma_semaphore, #tpu.memory_space<semaphore_mem>> -> memref<!tpu.dma_semaphore, #tpu.memory_space<semaphore_mem>>
    tpu.wait_indirect_dma semaphore(%dma_wait3A_159 : memref<!tpu.dma_semaphore, #tpu.memory_space<semaphore_mem>>) src(%dma_wait3A_157 : memref<10000x128xf32, #tpu.memory_space<hbm>>) dst(%dma_wait3A_154 : memref<16x128xf32, #tpu.memory_space<vmem>>)
    "tpu.region"() ({
      %run_scoped3A_165 = tpu.sem_alloc : memref<!tpu.dma_semaphore, #tpu.memory_space<semaphore_mem>>
      %dma_start3A_166 = tpu.memref_slice %arg4[%add3A_137] : memref<320000xi32, #tpu.memory_space<hbm>> -> memref<16xi32, #tpu.memory_space<hbm>>
      %dma_start3A_167 = tpu.memref_slice %arg4[%add3A_137] : memref<320000xi32, #tpu.memory_space<hbm>> -> memref<16xi32, #tpu.memory_space<hbm>>
      tpu.enqueue_dma source(%dma_start3A_167 : memref<16xi32, #tpu.memory_space<hbm>>) target(%arg12 : memref<16xi32, #tpu.memory_space<vmem>>) target_semaphore(%run_scoped3A_165 : memref<!tpu.dma_semaphore, #tpu.memory_space<semaphore_mem>>)
      %dma_wait3A_168 = tpu.memref_slice %arg4[%add3A_137] : memref<320000xi32, #tpu.memory_space<hbm>> -> memref<16xi32, #tpu.memory_space<hbm>>
      %dma_wait3A_169 = tpu.memref_slice %arg4[%add3A_137] : memref<320000xi32, #tpu.memory_space<hbm>> -> memref<16xi32, #tpu.memory_space<hbm>>
      tpu.wait_dma2 semaphore(%run_scoped3A_165 : memref<!tpu.dma_semaphore, #tpu.memory_space<semaphore_mem>>) src(%dma_wait3A_169 : memref<16xi32, #tpu.memory_space<hbm>>) dst(%arg12 : memref<16xi32, #tpu.memory_space<vmem>>)
      tpu.yield
    }) : () -> ()
    %run_scoped3A = arith.constant 0 : i32
    "tpu.region"() ({
      %run_scoped3A_165 = tpu.sem_alloc : memref<!tpu.dma_semaphore, #tpu.memory_space<semaphore_mem>>
      %dma_start3A_166 = arith.constant 0 : i32
      %dma_start3A_167 = arith.constant 0 : i32
      %dma_start3A_168 = tpu.memref_slice %arg9[%run_scoped3A, %dma_start3A_166, %dma_start3A_167] : memref<2x128x128xf32, #tpu.memory_space<vmem>> -> memref<1x16x128xf32, #tpu.memory_space<vmem>>
      %dma_start3A_169 = tpu.memref_squeeze %dma_start3A_168 : memref<1x16x128xf32, #tpu.memory_space<vmem>> -> memref<16x128xf32, #tpu.memory_space<vmem>>
      %dma_start3A_170 = arith.constant 0 : i32
      %dma_start3A_171 = arith.constant 0 : i32
      %dma_start3A_172 = tpu.memref_slice %arg10[%dma_start3A_170, %dma_start3A_171] : memref<10240x128xf32, #tpu.memory_space<vmem_shared>> -> memref<10240x128xf32, #tpu.memory_space<vmem_shared>>
      tpu.enqueue_indirect_dma source(%dma_start3A_169 : memref<16x128xf32, #tpu.memory_space<vmem>>) target(%dma_start3A_172 : memref<10240x128xf32, #tpu.memory_space<vmem_shared>>) offsets(%arg12 : memref<16xi32, #tpu.memory_space<vmem>>) semaphore(%run_scoped3A_165 : memref<!tpu.dma_semaphore, #tpu.memory_space<semaphore_mem>>) {add = true}
      %dma_wait3A_173 = arith.constant 0 : i32
      %dma_wait3A_174 = arith.constant 0 : i32
      %dma_wait3A_175 = tpu.memref_slice %arg9[%run_scoped3A, %dma_wait3A_173, %dma_wait3A_174] : memref<2x128x128xf32, #tpu.memory_space<vmem>> -> memref<1x16x128xf32, #tpu.memory_space<vmem>>
      %dma_wait3A_176 = tpu.memref_squeeze %dma_wait3A_175 : memref<1x16x128xf32, #tpu.memory_space<vmem>> -> memref<16x128xf32, #tpu.memory_space<vmem>>
      %dma_wait3A_177 = arith.constant 0 : i32
      %dma_wait3A_178 = arith.constant 0 : i32
      %dma_wait3A_179 = tpu.memref_slice %arg10[%dma_wait3A_177, %dma_wait3A_178] : memref<10240x128xf32, #tpu.memory_space<vmem_shared>> -> memref<10240x128xf32, #tpu.memory_space<vmem_shared>>
      tpu.wait_indirect_dma semaphore(%run_scoped3A_165 : memref<!tpu.dma_semaphore, #tpu.memory_space<semaphore_mem>>) src(%dma_wait3A_176 : memref<16x128xf32, #tpu.memory_space<vmem>>) dst(%dma_wait3A_179 : memref<10240x128xf32, #tpu.memory_space<vmem_shared>>)
      tpu.yield
    }) : () -> ()
    %barrier3A_160 = arith.constant 0 : index
    tpu.barrier barrier_id(%barrier3A_160)
    %mul3A_161 = arith.constant 640 : i32
    %mul3A_162 = arith.muli %arg1, %mul3A_161 : i32
    %mul3A_163 = arith.constant 640 : i32
    %mul3A_164 = arith.muli %arg1, %mul3A_163 : i32
    "tpu.region"() ({
      %run_scoped3A_165 = tpu.sem_alloc : memref<!tpu.dma_semaphore, #tpu.memory_space<semaphore_mem>>
      %dma_start3A_166 = arith.constant 0 : i32
      %dma_start3A_167 = tpu.memref_slice %arg6[%arg0, %mul3A_164, %dma_start3A_166] : memref<2x10240x128xf32, #tpu.memory_space<hbm>> -> memref<1x640x128xf32, #tpu.memory_space<hbm>>
      %dma_start3A_168 = tpu.memref_squeeze %dma_start3A_167 : memref<1x640x128xf32, #tpu.memory_space<hbm>> -> memref<640x128xf32, #tpu.memory_space<hbm>>
      %dma_start3A_169 = arith.constant 0 : i32
      %dma_start3A_170 = tpu.memref_slice %arg10[%mul3A_162, %dma_start3A_169] : memref<10240x128xf32, #tpu.memory_space<vmem_shared>> -> memref<640x128xf32, #tpu.memory_space<vmem_shared>>
      tpu.enqueue_dma source(%dma_start3A_170 : memref<640x128xf32, #tpu.memory_space<vmem_shared>>) target(%dma_start3A_168 : memref<640x128xf32, #tpu.memory_space<hbm>>) target_semaphore(%run_scoped3A_165 : memref<!tpu.dma_semaphore, #tpu.memory_space<semaphore_mem>>)
      %dma_wait3A_171 = arith.constant 0 : i32
      %dma_wait3A_172 = tpu.memref_slice %arg6[%arg0, %mul3A_164, %dma_wait3A_171] : memref<2x10240x128xf32, #tpu.memory_space<hbm>> -> memref<1x640x128xf32, #tpu.memory_space<hbm>>
      %dma_wait3A_173 = tpu.memref_squeeze %dma_wait3A_172 : memref<1x640x128xf32, #tpu.memory_space<hbm>> -> memref<640x128xf32, #tpu.memory_space<hbm>>
      %dma_wait3A_174 = arith.constant 0 : i32
      %dma_wait3A_175 = tpu.memref_slice %arg10[%mul3A_162, %dma_wait3A_174] : memref<10240x128xf32, #tpu.memory_space<vmem_shared>> -> memref<640x128xf32, #tpu.memory_space<vmem_shared>>
      tpu.wait_dma2 semaphore(%run_scoped3A_165 : memref<!tpu.dma_semaphore, #tpu.memory_space<semaphore_mem>>) src(%dma_wait3A_175 : memref<640x128xf32, #tpu.memory_space<vmem_shared>>) dst(%dma_wait3A_173 : memref<640x128xf32, #tpu.memory_space<hbm>>)
      tpu.yield
    }) : () -> ()
    return
  }
}

#map = affine_map<(d0, d1) -> (0, 0)>
#map1 = affine_map<(d0, d1) -> (0)>
#map2 = affine_map<(d0, d1) -> (0, 0, 0)>
module attributes {stable_mosaic.version = 14 : i64} {
  func.func @_agg_body(%arg0: i32, %arg1: i32, %arg2: memref<10000x128xf32, #tpu.memory_space<hbm>>, %arg3: memref<320000xi32, #tpu.memory_space<hbm>>, %arg4: memref<320000xi32, #tpu.memory_space<hbm>>, %arg5: memref<640x128xf32, #tpu.memory_space<hbm>>, %arg6: memref<2x10240x128xf32, #tpu.memory_space<hbm>>, %arg7: memref<3x128xi32, #tpu.memory_space<vmem>>, %arg8: memref<2x128xi32, #tpu.memory_space<vmem>>, %arg9: memref<2x128x128xf32, #tpu.memory_space<vmem>>, %arg10: memref<10240x128xf32, #tpu.memory_space<vmem_shared>>, %arg11: memref<16xi32, #tpu.memory_space<vmem>>, %arg12: memref<16xi32, #tpu.memory_space<vmem>>, %arg13: memref<2x!tpu.dma_semaphore, #tpu.memory_space<semaphore_mem>>, %arg14: memref<2x!tpu.dma_semaphore, #tpu.memory_space<semaphore_mem>>, %arg15: memref<3x!tpu.dma_semaphore, #tpu.memory_space<semaphore_mem>>) attributes {dimension_semantics = [#tpu.dimension_semantics<core_parallel>, #tpu.dimension_semantics<subcore_parallel>], iteration_bounds = array<i64: 2, 16>, scalar_prefetch = 0 : i64, scratch_operands = 9 : i64, tpu.core_type = #tpu.core_type<sc_vector_subcore>, window_params = [{transform_indices = #map}, {transform_indices = #map1}, {transform_indices = #map1}, {transform_indices = #map}, {transform_indices = #map2}]} {
    %mul3A = arith.constant 2 : i32
    %mul3A_0 = arith.muli %arg1, %mul3A : i32
    %add3A = arith.addi %mul3A_0, %arg0 : i32
    %mul3A_1 = arith.constant 10000 : i32
    %mul3A_2 = arith.muli %add3A, %mul3A_1 : i32
    %mul3A_3 = arith.constant 640 : i32
    %mul3A_4 = arith.muli %arg1, %mul3A_3 : i32
    "tpu.region"() ({
      %run_scoped3A_165 = tpu.sem_alloc : memref<!tpu.dma_semaphore, #tpu.memory_space<semaphore_mem>>
      %dma_start3A_166 = arith.constant 0 : i32
      %dma_start3A_167 = tpu.memref_slice %arg10[%mul3A_4, %dma_start3A_166] : memref<10240x128xf32, #tpu.memory_space<vmem_shared>> -> memref<640x128xf32, #tpu.memory_space<vmem_shared>>
      tpu.enqueue_dma source(%arg5 : memref<640x128xf32, #tpu.memory_space<hbm>>) target(%dma_start3A_167 : memref<640x128xf32, #tpu.memory_space<vmem_shared>>) target_semaphore(%run_scoped3A_165 : memref<!tpu.dma_semaphore, #tpu.memory_space<semaphore_mem>>)
      %dma_wait3A_168 = arith.constant 0 : i32
      %dma_wait3A_169 = tpu.memref_slice %arg10[%mul3A_4, %dma_wait3A_168] : memref<10240x128xf32, #tpu.memory_space<vmem_shared>> -> memref<640x128xf32, #tpu.memory_space<vmem_shared>>
      tpu.wait_dma2 semaphore(%run_scoped3A_165 : memref<!tpu.dma_semaphore, #tpu.memory_space<semaphore_mem>>) src(%arg5 : memref<640x128xf32, #tpu.memory_space<hbm>>) dst(%dma_wait3A_169 : memref<640x128xf32, #tpu.memory_space<vmem_shared>>)
      tpu.yield
    }) : () -> ()
    %add3A_5 = arith.constant 0 : i32
    %add3A_6 = arith.addi %mul3A_2, %add3A_5 : i32
    %dma_start3A = arith.constant 0 : i32
    %dma_start3A_7 = arith.constant 0 : i32
    %dma_start3A_8 = arith.constant 0 : i32
    %dma_start3A_9 = tpu.memref_slice %arg7[%dma_start3A, %dma_start3A_8] : memref<3x128xi32, #tpu.memory_space<vmem>> -> memref<1x128xi32, #tpu.memory_space<vmem>>
    %dma_start3A_10 = tpu.memref_squeeze %dma_start3A_9 : memref<1x128xi32, #tpu.memory_space<vmem>> -> memref<128xi32, #tpu.memory_space<vmem>>
    %dma_start3A_11 = tpu.memref_slice %arg3[%add3A_6] : memref<320000xi32, #tpu.memory_space<hbm>> -> memref<128xi32, #tpu.memory_space<hbm>>
    %dma_start3A_12 = tpu.memref_slice %arg15[%dma_start3A_7] : memref<3x!tpu.dma_semaphore, #tpu.memory_space<semaphore_mem>> -> memref<1x!tpu.dma_semaphore, #tpu.memory_space<semaphore_mem>>
    %dma_start3A_13 = tpu.memref_squeeze %dma_start3A_12 : memref<1x!tpu.dma_semaphore, #tpu.memory_space<semaphore_mem>> -> memref<!tpu.dma_semaphore, #tpu.memory_space<semaphore_mem>>
    %dma_start3A_14 = arith.constant 0 : i32
    %dma_start3A_15 = tpu.memref_slice %arg7[%dma_start3A, %dma_start3A_14] : memref<3x128xi32, #tpu.memory_space<vmem>> -> memref<1x128xi32, #tpu.memory_space<vmem>>
    %dma_start3A_16 = tpu.memref_squeeze %dma_start3A_15 : memref<1x128xi32, #tpu.memory_space<vmem>> -> memref<128xi32, #tpu.memory_space<vmem>>
    %dma_start3A_17 = tpu.memref_slice %arg3[%add3A_6] : memref<320000xi32, #tpu.memory_space<hbm>> -> memref<128xi32, #tpu.memory_space<hbm>>
    tpu.enqueue_dma source(%dma_start3A_17 : memref<128xi32, #tpu.memory_space<hbm>>) target(%dma_start3A_16 : memref<128xi32, #tpu.memory_space<vmem>>) target_semaphore(%dma_start3A_13 : memref<!tpu.dma_semaphore, #tpu.memory_space<semaphore_mem>>)
    %add3A_18 = arith.constant 128 : i32
    %add3A_19 = arith.addi %mul3A_2, %add3A_18 : i32
    %dma_start3A_20 = arith.constant 1 : i32
    %dma_start3A_21 = arith.constant 1 : i32
    %dma_start3A_22 = arith.constant 0 : i32
    %dma_start3A_23 = tpu.memref_slice %arg7[%dma_start3A_20, %dma_start3A_22] : memref<3x128xi32, #tpu.memory_space<vmem>> -> memref<1x128xi32, #tpu.memory_space<vmem>>
    %dma_start3A_24 = tpu.memref_squeeze %dma_start3A_23 : memref<1x128xi32, #tpu.memory_space<vmem>> -> memref<128xi32, #tpu.memory_space<vmem>>
    %dma_start3A_25 = tpu.memref_slice %arg3[%add3A_19] : memref<320000xi32, #tpu.memory_space<hbm>> -> memref<128xi32, #tpu.memory_space<hbm>>
    %dma_start3A_26 = tpu.memref_slice %arg15[%dma_start3A_21] : memref<3x!tpu.dma_semaphore, #tpu.memory_space<semaphore_mem>> -> memref<1x!tpu.dma_semaphore, #tpu.memory_space<semaphore_mem>>
    %dma_start3A_27 = tpu.memref_squeeze %dma_start3A_26 : memref<1x!tpu.dma_semaphore, #tpu.memory_space<semaphore_mem>> -> memref<!tpu.dma_semaphore, #tpu.memory_space<semaphore_mem>>
    %dma_start3A_28 = arith.constant 0 : i32
    %dma_start3A_29 = tpu.memref_slice %arg7[%dma_start3A_20, %dma_start3A_28] : memref<3x128xi32, #tpu.memory_space<vmem>> -> memref<1x128xi32, #tpu.memory_space<vmem>>
    %dma_start3A_30 = tpu.memref_squeeze %dma_start3A_29 : memref<1x128xi32, #tpu.memory_space<vmem>> -> memref<128xi32, #tpu.memory_space<vmem>>
    %dma_start3A_31 = tpu.memref_slice %arg3[%add3A_19] : memref<320000xi32, #tpu.memory_space<hbm>> -> memref<128xi32, #tpu.memory_space<hbm>>
    tpu.enqueue_dma source(%dma_start3A_31 : memref<128xi32, #tpu.memory_space<hbm>>) target(%dma_start3A_30 : memref<128xi32, #tpu.memory_space<vmem>>) target_semaphore(%dma_start3A_27 : memref<!tpu.dma_semaphore, #tpu.memory_space<semaphore_mem>>)
    %add3A_32 = arith.constant 256 : i32
    %add3A_33 = arith.addi %mul3A_2, %add3A_32 : i32
    %dma_start3A_34 = arith.constant 2 : i32
    %dma_start3A_35 = arith.constant 2 : i32
    %dma_start3A_36 = arith.constant 0 : i32
    %dma_start3A_37 = tpu.memref_slice %arg7[%dma_start3A_34, %dma_start3A_36] : memref<3x128xi32, #tpu.memory_space<vmem>> -> memref<1x128xi32, #tpu.memory_space<vmem>>
    %dma_start3A_38 = tpu.memref_squeeze %dma_start3A_37 : memref<1x128xi32, #tpu.memory_space<vmem>> -> memref<128xi32, #tpu.memory_space<vmem>>
    %dma_start3A_39 = tpu.memref_slice %arg3[%add3A_33] : memref<320000xi32, #tpu.memory_space<hbm>> -> memref<128xi32, #tpu.memory_space<hbm>>
    %dma_start3A_40 = tpu.memref_slice %arg15[%dma_start3A_35] : memref<3x!tpu.dma_semaphore, #tpu.memory_space<semaphore_mem>> -> memref<1x!tpu.dma_semaphore, #tpu.memory_space<semaphore_mem>>
    %dma_start3A_41 = tpu.memref_squeeze %dma_start3A_40 : memref<1x!tpu.dma_semaphore, #tpu.memory_space<semaphore_mem>> -> memref<!tpu.dma_semaphore, #tpu.memory_space<semaphore_mem>>
    %dma_start3A_42 = arith.constant 0 : i32
    %dma_start3A_43 = tpu.memref_slice %arg7[%dma_start3A_34, %dma_start3A_42] : memref<3x128xi32, #tpu.memory_space<vmem>> -> memref<1x128xi32, #tpu.memory_space<vmem>>
    %dma_start3A_44 = tpu.memref_squeeze %dma_start3A_43 : memref<1x128xi32, #tpu.memory_space<vmem>> -> memref<128xi32, #tpu.memory_space<vmem>>
    %dma_start3A_45 = tpu.memref_slice %arg3[%add3A_33] : memref<320000xi32, #tpu.memory_space<hbm>> -> memref<128xi32, #tpu.memory_space<hbm>>
    tpu.enqueue_dma source(%dma_start3A_45 : memref<128xi32, #tpu.memory_space<hbm>>) target(%dma_start3A_44 : memref<128xi32, #tpu.memory_space<vmem>>) target_semaphore(%dma_start3A_41 : memref<!tpu.dma_semaphore, #tpu.memory_space<semaphore_mem>>)
    %add3A_46 = arith.constant 0 : i32
    %add3A_47 = arith.addi %mul3A_2, %add3A_46 : i32
    %dma_start3A_48 = arith.constant 0 : i32
    %dma_start3A_49 = arith.constant 0 : i32
    %dma_start3A_50 = arith.constant 0 : i32
    %dma_start3A_51 = tpu.memref_slice %arg8[%dma_start3A_48, %dma_start3A_50] : memref<2x128xi32, #tpu.memory_space<vmem>> -> memref<1x128xi32, #tpu.memory_space<vmem>>
    %dma_start3A_52 = tpu.memref_squeeze %dma_start3A_51 : memref<1x128xi32, #tpu.memory_space<vmem>> -> memref<128xi32, #tpu.memory_space<vmem>>
    %dma_start3A_53 = tpu.memref_slice %arg4[%add3A_47] : memref<320000xi32, #tpu.memory_space<hbm>> -> memref<128xi32, #tpu.memory_space<hbm>>
    %dma_start3A_54 = tpu.memref_slice %arg14[%dma_start3A_49] : memref<2x!tpu.dma_semaphore, #tpu.memory_space<semaphore_mem>> -> memref<1x!tpu.dma_semaphore, #tpu.memory_space<semaphore_mem>>
    %dma_start3A_55 = tpu.memref_squeeze %dma_start3A_54 : memref<1x!tpu.dma_semaphore, #tpu.memory_space<semaphore_mem>> -> memref<!tpu.dma_semaphore, #tpu.memory_space<semaphore_mem>>
    %dma_start3A_56 = arith.constant 0 : i32
    %dma_start3A_57 = tpu.memref_slice %arg8[%dma_start3A_48, %dma_start3A_56] : memref<2x128xi32, #tpu.memory_space<vmem>> -> memref<1x128xi32, #tpu.memory_space<vmem>>
    %dma_start3A_58 = tpu.memref_squeeze %dma_start3A_57 : memref<1x128xi32, #tpu.memory_space<vmem>> -> memref<128xi32, #tpu.memory_space<vmem>>
    %dma_start3A_59 = tpu.memref_slice %arg4[%add3A_47] : memref<320000xi32, #tpu.memory_space<hbm>> -> memref<128xi32, #tpu.memory_space<hbm>>
    tpu.enqueue_dma source(%dma_start3A_59 : memref<128xi32, #tpu.memory_space<hbm>>) target(%dma_start3A_58 : memref<128xi32, #tpu.memory_space<vmem>>) target_semaphore(%dma_start3A_55 : memref<!tpu.dma_semaphore, #tpu.memory_space<semaphore_mem>>)
    %add3A_60 = arith.constant 0 : i32
    %add3A_61 = arith.addi %mul3A_2, %add3A_60 : i32
    %dma_wait3A = arith.constant 0 : i32
    %dma_wait3A_62 = arith.constant 0 : i32
    %dma_wait3A_63 = arith.constant 0 : i32
    %dma_wait3A_64 = tpu.memref_slice %arg7[%dma_wait3A, %dma_wait3A_63] : memref<3x128xi32, #tpu.memory_space<vmem>> -> memref<1x128xi32, #tpu.memory_space<vmem>>
    %dma_wait3A_65 = tpu.memref_squeeze %dma_wait3A_64 : memref<1x128xi32, #tpu.memory_space<vmem>> -> memref<128xi32, #tpu.memory_space<vmem>>
    %dma_wait3A_66 = tpu.memref_slice %arg3[%add3A_61] : memref<320000xi32, #tpu.memory_space<hbm>> -> memref<128xi32, #tpu.memory_space<hbm>>
    %dma_wait3A_67 = tpu.memref_slice %arg15[%dma_wait3A_62] : memref<3x!tpu.dma_semaphore, #tpu.memory_space<semaphore_mem>> -> memref<1x!tpu.dma_semaphore, #tpu.memory_space<semaphore_mem>>
    %dma_wait3A_68 = tpu.memref_squeeze %dma_wait3A_67 : memref<1x!tpu.dma_semaphore, #tpu.memory_space<semaphore_mem>> -> memref<!tpu.dma_semaphore, #tpu.memory_space<semaphore_mem>>
    %dma_wait3A_69 = arith.constant 0 : i32
    %dma_wait3A_70 = tpu.memref_slice %arg7[%dma_wait3A, %dma_wait3A_69] : memref<3x128xi32, #tpu.memory_space<vmem>> -> memref<1x128xi32, #tpu.memory_space<vmem>>
    %dma_wait3A_71 = tpu.memref_squeeze %dma_wait3A_70 : memref<1x128xi32, #tpu.memory_space<vmem>> -> memref<128xi32, #tpu.memory_space<vmem>>
    %dma_wait3A_72 = tpu.memref_slice %arg3[%add3A_61] : memref<320000xi32, #tpu.memory_space<hbm>> -> memref<128xi32, #tpu.memory_space<hbm>>
    tpu.wait_dma2 semaphore(%dma_wait3A_68 : memref<!tpu.dma_semaphore, #tpu.memory_space<semaphore_mem>>) src(%dma_wait3A_72 : memref<128xi32, #tpu.memory_space<hbm>>) dst(%dma_wait3A_71 : memref<128xi32, #tpu.memory_space<vmem>>)
    %dma_start3A_73 = arith.constant 0 : i32
    %dma_start3A_74 = arith.constant 0 : i32
    %dma_start3A_75 = arith.constant 0 : i32
    %dma_start3A_76 = arith.constant 0 : i32
    %dma_start3A_77 = arith.constant 0 : i32
    %dma_start3A_78 = tpu.memref_slice %arg9[%dma_start3A_74, %dma_start3A_76, %dma_start3A_77] : memref<2x128x128xf32, #tpu.memory_space<vmem>> -> memref<1x128x128xf32, #tpu.memory_space<vmem>>
    %dma_start3A_79 = tpu.memref_squeeze %dma_start3A_78 : memref<1x128x128xf32, #tpu.memory_space<vmem>> -> memref<128x128xf32, #tpu.memory_space<vmem>>
    %dma_start3A_80 = arith.constant 0 : i32
    %dma_start3A_81 = tpu.memref_slice %arg7[%dma_start3A_73, %dma_start3A_80] : memref<3x128xi32, #tpu.memory_space<vmem>> -> memref<1x128xi32, #tpu.memory_space<vmem>>
    %dma_start3A_82 = tpu.memref_squeeze %dma_start3A_81 : memref<1x128xi32, #tpu.memory_space<vmem>> -> memref<128xi32, #tpu.memory_space<vmem>>
    %dma_start3A_83 = arith.constant 0 : i32
    %dma_start3A_84 = arith.constant 0 : i32
    %dma_start3A_85 = tpu.memref_slice %arg2[%dma_start3A_83, %dma_start3A_84] : memref<10000x128xf32, #tpu.memory_space<hbm>> -> memref<10000x128xf32, #tpu.memory_space<hbm>>
    %dma_start3A_86 = tpu.memref_slice %arg13[%dma_start3A_75] : memref<2x!tpu.dma_semaphore, #tpu.memory_space<semaphore_mem>> -> memref<1x!tpu.dma_semaphore, #tpu.memory_space<semaphore_mem>>
    %dma_start3A_87 = tpu.memref_squeeze %dma_start3A_86 : memref<1x!tpu.dma_semaphore, #tpu.memory_space<semaphore_mem>> -> memref<!tpu.dma_semaphore, #tpu.memory_space<semaphore_mem>>
    tpu.enqueue_indirect_dma source(%dma_start3A_85 : memref<10000x128xf32, #tpu.memory_space<hbm>>) target(%dma_start3A_79 : memref<128x128xf32, #tpu.memory_space<vmem>>) offsets(%dma_start3A_82 : memref<128xi32, #tpu.memory_space<vmem>>) semaphore(%dma_start3A_87 : memref<!tpu.dma_semaphore, #tpu.memory_space<semaphore_mem>>)
    %add3A_88 = arith.constant 128 : i32
    %add3A_89 = arith.addi %mul3A_2, %add3A_88 : i32
    %dma_start3A_90 = arith.constant 1 : i32
    %dma_start3A_91 = arith.constant 1 : i32
    %dma_start3A_92 = arith.constant 0 : i32
    %dma_start3A_93 = tpu.memref_slice %arg8[%dma_start3A_90, %dma_start3A_92] : memref<2x128xi32, #tpu.memory_space<vmem>> -> memref<1x128xi32, #tpu.memory_space<vmem>>
    %dma_start3A_94 = tpu.memref_squeeze %dma_start3A_93 : memref<1x128xi32, #tpu.memory_space<vmem>> -> memref<128xi32, #tpu.memory_space<vmem>>
    %dma_start3A_95 = tpu.memref_slice %arg4[%add3A_89] : memref<320000xi32, #tpu.memory_space<hbm>> -> memref<128xi32, #tpu.memory_space<hbm>>
    %dma_start3A_96 = tpu.memref_slice %arg14[%dma_start3A_91] : memref<2x!tpu.dma_semaphore, #tpu.memory_space<semaphore_mem>> -> memref<1x!tpu.dma_semaphore, #tpu.memory_space<semaphore_mem>>
    %dma_start3A_97 = tpu.memref_squeeze %dma_start3A_96 : memref<1x!tpu.dma_semaphore, #tpu.memory_space<semaphore_mem>> -> memref<!tpu.dma_semaphore, #tpu.memory_space<semaphore_mem>>
    %dma_start3A_98 = arith.constant 0 : i32
    %dma_start3A_99 = tpu.memref_slice %arg8[%dma_start3A_90, %dma_start3A_98] : memref<2x128xi32, #tpu.memory_space<vmem>> -> memref<1x128xi32, #tpu.memory_space<vmem>>
    %dma_start3A_100 = tpu.memref_squeeze %dma_start3A_99 : memref<1x128xi32, #tpu.memory_space<vmem>> -> memref<128xi32, #tpu.memory_space<vmem>>
    %dma_start3A_101 = tpu.memref_slice %arg4[%add3A_89] : memref<320000xi32, #tpu.memory_space<hbm>> -> memref<128xi32, #tpu.memory_space<hbm>>
    tpu.enqueue_dma source(%dma_start3A_101 : memref<128xi32, #tpu.memory_space<hbm>>) target(%dma_start3A_100 : memref<128xi32, #tpu.memory_space<vmem>>) target_semaphore(%dma_start3A_97 : memref<!tpu.dma_semaphore, #tpu.memory_space<semaphore_mem>>)
    %add3A_102 = arith.constant 128 : i32
    %add3A_103 = arith.addi %mul3A_2, %add3A_102 : i32
    %dma_wait3A_104 = arith.constant 1 : i32
    %dma_wait3A_105 = arith.constant 1 : i32
    %dma_wait3A_106 = arith.constant 0 : i32
    %dma_wait3A_107 = tpu.memref_slice %arg7[%dma_wait3A_104, %dma_wait3A_106] : memref<3x128xi32, #tpu.memory_space<vmem>> -> memref<1x128xi32, #tpu.memory_space<vmem>>
    %dma_wait3A_108 = tpu.memref_squeeze %dma_wait3A_107 : memref<1x128xi32, #tpu.memory_space<vmem>> -> memref<128xi32, #tpu.memory_space<vmem>>
    %dma_wait3A_109 = tpu.memref_slice %arg3[%add3A_103] : memref<320000xi32, #tpu.memory_space<hbm>> -> memref<128xi32, #tpu.memory_space<hbm>>
    %dma_wait3A_110 = tpu.memref_slice %arg15[%dma_wait3A_105] : memref<3x!tpu.dma_semaphore, #tpu.memory_space<semaphore_mem>> -> memref<1x!tpu.dma_semaphore, #tpu.memory_space<semaphore_mem>>
    %dma_wait3A_111 = tpu.memref_squeeze %dma_wait3A_110 : memref<1x!tpu.dma_semaphore, #tpu.memory_space<semaphore_mem>> -> memref<!tpu.dma_semaphore, #tpu.memory_space<semaphore_mem>>
    %dma_wait3A_112 = arith.constant 0 : i32
    %dma_wait3A_113 = tpu.memref_slice %arg7[%dma_wait3A_104, %dma_wait3A_112] : memref<3x128xi32, #tpu.memory_space<vmem>> -> memref<1x128xi32, #tpu.memory_space<vmem>>
    %dma_wait3A_114 = tpu.memref_squeeze %dma_wait3A_113 : memref<1x128xi32, #tpu.memory_space<vmem>> -> memref<128xi32, #tpu.memory_space<vmem>>
    %dma_wait3A_115 = tpu.memref_slice %arg3[%add3A_103] : memref<320000xi32, #tpu.memory_space<hbm>> -> memref<128xi32, #tpu.memory_space<hbm>>
    tpu.wait_dma2 semaphore(%dma_wait3A_111 : memref<!tpu.dma_semaphore, #tpu.memory_space<semaphore_mem>>) src(%dma_wait3A_115 : memref<128xi32, #tpu.memory_space<hbm>>) dst(%dma_wait3A_114 : memref<128xi32, #tpu.memory_space<vmem>>)
    %dma_start3A_116 = arith.constant 1 : i32
    %dma_start3A_117 = arith.constant 1 : i32
    %dma_start3A_118 = arith.constant 1 : i32
    %dma_start3A_119 = arith.constant 0 : i32
    %dma_start3A_120 = arith.constant 0 : i32
    %dma_start3A_121 = tpu.memref_slice %arg9[%dma_start3A_117, %dma_start3A_119, %dma_start3A_120] : memref<2x128x128xf32, #tpu.memory_space<vmem>> -> memref<1x128x128xf32, #tpu.memory_space<vmem>>
    %dma_start3A_122 = tpu.memref_squeeze %dma_start3A_121 : memref<1x128x128xf32, #tpu.memory_space<vmem>> -> memref<128x128xf32, #tpu.memory_space<vmem>>
    %dma_start3A_123 = arith.constant 0 : i32
    %dma_start3A_124 = tpu.memref_slice %arg7[%dma_start3A_116, %dma_start3A_123] : memref<3x128xi32, #tpu.memory_space<vmem>> -> memref<1x128xi32, #tpu.memory_space<vmem>>
    %dma_start3A_125 = tpu.memref_squeeze %dma_start3A_124 : memref<1x128xi32, #tpu.memory_space<vmem>> -> memref<128xi32, #tpu.memory_space<vmem>>
    %dma_start3A_126 = arith.constant 0 : i32
    %dma_start3A_127 = arith.constant 0 : i32
    %dma_start3A_128 = tpu.memref_slice %arg2[%dma_start3A_126, %dma_start3A_127] : memref<10000x128xf32, #tpu.memory_space<hbm>> -> memref<10000x128xf32, #tpu.memory_space<hbm>>
    %dma_start3A_129 = tpu.memref_slice %arg13[%dma_start3A_118] : memref<2x!tpu.dma_semaphore, #tpu.memory_space<semaphore_mem>> -> memref<1x!tpu.dma_semaphore, #tpu.memory_space<semaphore_mem>>
    %dma_start3A_130 = tpu.memref_squeeze %dma_start3A_129 : memref<1x!tpu.dma_semaphore, #tpu.memory_space<semaphore_mem>> -> memref<!tpu.dma_semaphore, #tpu.memory_space<semaphore_mem>>
    tpu.enqueue_indirect_dma source(%dma_start3A_128 : memref<10000x128xf32, #tpu.memory_space<hbm>>) target(%dma_start3A_122 : memref<128x128xf32, #tpu.memory_space<vmem>>) offsets(%dma_start3A_125 : memref<128xi32, #tpu.memory_space<vmem>>) semaphore(%dma_start3A_130 : memref<!tpu.dma_semaphore, #tpu.memory_space<semaphore_mem>>)
    %barrier3A = arith.constant 0 : index
    tpu.barrier barrier_id(%barrier3A)
    %scan3A = arith.constant 0 : i32
    %scan3A_131 = arith.constant 0 : i32
    %scan3A_132 = arith.constant 78 : i32
    %scan3A_133 = arith.addi %scan3A_131, %scan3A_132 : i32
    %scan3A_134 = arith.constant 1 : i32
    scf.for %scan3A_165 = %scan3A_131 to %scan3A_133 step %scan3A_134  : i32 {
      %rem3A = arith.constant 2 : i32
      %rem3A_166 = arith.remsi %scan3A_165, %rem3A : i32
      %add3A_167 = arith.constant 2 : i32
      %add3A_168 = arith.addi %scan3A_165, %add3A_167 : i32
      %rem3A_169 = arith.constant 3 : i32
      %rem3A_170 = arith.remsi %add3A_168, %rem3A_169 : i32
      %rem3A_171 = arith.constant 3 : i32
      %rem3A_172 = arith.remsi %scan3A_165, %rem3A_171 : i32
      %dma_wait3A_173 = arith.constant 0 : i32
      %dma_wait3A_174 = arith.constant 0 : i32
      %dma_wait3A_175 = tpu.memref_slice %arg9[%rem3A_166, %dma_wait3A_173, %dma_wait3A_174] : memref<2x128x128xf32, #tpu.memory_space<vmem>> -> memref<1x128x128xf32, #tpu.memory_space<vmem>>
      %dma_wait3A_176 = tpu.memref_squeeze %dma_wait3A_175 : memref<1x128x128xf32, #tpu.memory_space<vmem>> -> memref<128x128xf32, #tpu.memory_space<vmem>>
      %dma_wait3A_177 = arith.constant 0 : i32
      %dma_wait3A_178 = tpu.memref_slice %arg7[%rem3A_172, %dma_wait3A_177] : memref<3x128xi32, #tpu.memory_space<vmem>> -> memref<1x128xi32, #tpu.memory_space<vmem>>
      %dma_wait3A_179 = tpu.memref_squeeze %dma_wait3A_178 : memref<1x128xi32, #tpu.memory_space<vmem>> -> memref<128xi32, #tpu.memory_space<vmem>>
      %dma_wait3A_180 = arith.constant 0 : i32
      %dma_wait3A_181 = arith.constant 0 : i32
      %dma_wait3A_182 = tpu.memref_slice %arg2[%dma_wait3A_180, %dma_wait3A_181] : memref<10000x128xf32, #tpu.memory_space<hbm>> -> memref<10000x128xf32, #tpu.memory_space<hbm>>
      %dma_wait3A_183 = tpu.memref_slice %arg13[%rem3A_166] : memref<2x!tpu.dma_semaphore, #tpu.memory_space<semaphore_mem>> -> memref<1x!tpu.dma_semaphore, #tpu.memory_space<semaphore_mem>>
      %dma_wait3A_184 = tpu.memref_squeeze %dma_wait3A_183 : memref<1x!tpu.dma_semaphore, #tpu.memory_space<semaphore_mem>> -> memref<!tpu.dma_semaphore, #tpu.memory_space<semaphore_mem>>
      tpu.wait_indirect_dma semaphore(%dma_wait3A_184 : memref<!tpu.dma_semaphore, #tpu.memory_space<semaphore_mem>>) src(%dma_wait3A_182 : memref<10000x128xf32, #tpu.memory_space<hbm>>) dst(%dma_wait3A_176 : memref<128x128xf32, #tpu.memory_space<vmem>>)
      %mul3A_185 = arith.constant 128 : i32
      %mul3A_186 = arith.muli %scan3A_165, %mul3A_185 : i32
      %add3A_187 = arith.addi %mul3A_2, %mul3A_186 : i32
      %dma_wait3A_188 = arith.constant 0 : i32
      %dma_wait3A_189 = tpu.memref_slice %arg8[%rem3A_166, %dma_wait3A_188] : memref<2x128xi32, #tpu.memory_space<vmem>> -> memref<1x128xi32, #tpu.memory_space<vmem>>
      %dma_wait3A_190 = tpu.memref_squeeze %dma_wait3A_189 : memref<1x128xi32, #tpu.memory_space<vmem>> -> memref<128xi32, #tpu.memory_space<vmem>>
      %dma_wait3A_191 = tpu.memref_slice %arg4[%add3A_187] : memref<320000xi32, #tpu.memory_space<hbm>> -> memref<128xi32, #tpu.memory_space<hbm>>
      %dma_wait3A_192 = tpu.memref_slice %arg14[%rem3A_166] : memref<2x!tpu.dma_semaphore, #tpu.memory_space<semaphore_mem>> -> memref<1x!tpu.dma_semaphore, #tpu.memory_space<semaphore_mem>>
      %dma_wait3A_193 = tpu.memref_squeeze %dma_wait3A_192 : memref<1x!tpu.dma_semaphore, #tpu.memory_space<semaphore_mem>> -> memref<!tpu.dma_semaphore, #tpu.memory_space<semaphore_mem>>
      %dma_wait3A_194 = arith.constant 0 : i32
      %dma_wait3A_195 = tpu.memref_slice %arg8[%rem3A_166, %dma_wait3A_194] : memref<2x128xi32, #tpu.memory_space<vmem>> -> memref<1x128xi32, #tpu.memory_space<vmem>>
      %dma_wait3A_196 = tpu.memref_squeeze %dma_wait3A_195 : memref<1x128xi32, #tpu.memory_space<vmem>> -> memref<128xi32, #tpu.memory_space<vmem>>
      %dma_wait3A_197 = tpu.memref_slice %arg4[%add3A_187] : memref<320000xi32, #tpu.memory_space<hbm>> -> memref<128xi32, #tpu.memory_space<hbm>>
      tpu.wait_dma2 semaphore(%dma_wait3A_193 : memref<!tpu.dma_semaphore, #tpu.memory_space<semaphore_mem>>) src(%dma_wait3A_197 : memref<128xi32, #tpu.memory_space<hbm>>) dst(%dma_wait3A_196 : memref<128xi32, #tpu.memory_space<vmem>>)
      "tpu.region"() ({
        %run_scoped3A_209 = tpu.sem_alloc : memref<!tpu.dma_semaphore, #tpu.memory_space<semaphore_mem>>
        %dma_start3A_210 = arith.constant 0 : i32
        %dma_start3A_211 = arith.constant 0 : i32
        %dma_start3A_212 = tpu.memref_slice %arg9[%rem3A_166, %dma_start3A_210, %dma_start3A_211] : memref<2x128x128xf32, #tpu.memory_space<vmem>> -> memref<1x128x128xf32, #tpu.memory_space<vmem>>
        %dma_start3A_213 = tpu.memref_squeeze %dma_start3A_212 : memref<1x128x128xf32, #tpu.memory_space<vmem>> -> memref<128x128xf32, #tpu.memory_space<vmem>>
        %dma_start3A_214 = arith.constant 0 : i32
        %dma_start3A_215 = tpu.memref_slice %arg8[%rem3A_166, %dma_start3A_214] : memref<2x128xi32, #tpu.memory_space<vmem>> -> memref<1x128xi32, #tpu.memory_space<vmem>>
        %dma_start3A_216 = tpu.memref_squeeze %dma_start3A_215 : memref<1x128xi32, #tpu.memory_space<vmem>> -> memref<128xi32, #tpu.memory_space<vmem>>
        %dma_start3A_217 = arith.constant 0 : i32
        %dma_start3A_218 = arith.constant 0 : i32
        %dma_start3A_219 = tpu.memref_slice %arg10[%dma_start3A_217, %dma_start3A_218] : memref<10240x128xf32, #tpu.memory_space<vmem_shared>> -> memref<10240x128xf32, #tpu.memory_space<vmem_shared>>
        tpu.enqueue_indirect_dma source(%dma_start3A_213 : memref<128x128xf32, #tpu.memory_space<vmem>>) target(%dma_start3A_219 : memref<10240x128xf32, #tpu.memory_space<vmem_shared>>) offsets(%dma_start3A_216 : memref<128xi32, #tpu.memory_space<vmem>>) semaphore(%run_scoped3A_209 : memref<!tpu.dma_semaphore, #tpu.memory_space<semaphore_mem>>) {add = true}
        %dma_wait3A_220 = arith.constant 0 : i32
        %dma_wait3A_221 = arith.constant 0 : i32
        %dma_wait3A_222 = tpu.memref_slice %arg9[%rem3A_166, %dma_wait3A_220, %dma_wait3A_221] : memref<2x128x128xf32, #tpu.memory_space<vmem>> -> memref<1x128x128xf32, #tpu.memory_space<vmem>>
        %dma_wait3A_223 = tpu.memref_squeeze %dma_wait3A_222 : memref<1x128x128xf32, #tpu.memory_space<vmem>> -> memref<128x128xf32, #tpu.memory_space<vmem>>
        %dma_wait3A_224 = arith.constant 0 : i32
        %dma_wait3A_225 = tpu.memref_slice %arg8[%rem3A_166, %dma_wait3A_224] : memref<2x128xi32, #tpu.memory_space<vmem>> -> memref<1x128xi32, #tpu.memory_space<vmem>>
        %dma_wait3A_226 = tpu.memref_squeeze %dma_wait3A_225 : memref<1x128xi32, #tpu.memory_space<vmem>> -> memref<128xi32, #tpu.memory_space<vmem>>
        %dma_wait3A_227 = arith.constant 0 : i32
        %dma_wait3A_228 = arith.constant 0 : i32
        %dma_wait3A_229 = tpu.memref_slice %arg10[%dma_wait3A_227, %dma_wait3A_228] : memref<10240x128xf32, #tpu.memory_space<vmem_shared>> -> memref<10240x128xf32, #tpu.memory_space<vmem_shared>>
        tpu.wait_indirect_dma semaphore(%run_scoped3A_209 : memref<!tpu.dma_semaphore, #tpu.memory_space<semaphore_mem>>) src(%dma_wait3A_223 : memref<128x128xf32, #tpu.memory_space<vmem>>) dst(%dma_wait3A_229 : memref<10240x128xf32, #tpu.memory_space<vmem_shared>>)
        tpu.yield
      }) : () -> ()
      %add3A_198 = arith.constant 2 : i32
      %add3A_199 = arith.addi %scan3A_165, %add3A_198 : i32
      %lt3A = arith.constant 78 : i32
      %lt3A_200 = arith.cmpi slt, %add3A_199, %lt3A : i32
      %convert_element_type3A = arith.extui %lt3A_200 : i1 to i32
      %cond3A = arith.constant 0 : i32
      %cond3A_201 = arith.cmpi ne, %convert_element_type3A, %cond3A : i32
      scf.if %cond3A_201 {
        %add3A_209 = arith.constant 2 : i32
        %add3A_210 = arith.addi %scan3A_165, %add3A_209 : i32
        %mul3A_211 = arith.constant 128 : i32
        %mul3A_212 = arith.muli %add3A_210, %mul3A_211 : i32
        %add3A_213 = arith.addi %mul3A_2, %mul3A_212 : i32
        %dma_wait3A_214 = arith.constant 0 : i32
        %dma_wait3A_215 = tpu.memref_slice %arg7[%rem3A_170, %dma_wait3A_214] : memref<3x128xi32, #tpu.memory_space<vmem>> -> memref<1x128xi32, #tpu.memory_space<vmem>>
        %dma_wait3A_216 = tpu.memref_squeeze %dma_wait3A_215 : memref<1x128xi32, #tpu.memory_space<vmem>> -> memref<128xi32, #tpu.memory_space<vmem>>
        %dma_wait3A_217 = tpu.memref_slice %arg3[%add3A_213] : memref<320000xi32, #tpu.memory_space<hbm>> -> memref<128xi32, #tpu.memory_space<hbm>>
        %dma_wait3A_218 = tpu.memref_slice %arg15[%rem3A_170] : memref<3x!tpu.dma_semaphore, #tpu.memory_space<semaphore_mem>> -> memref<1x!tpu.dma_semaphore, #tpu.memory_space<semaphore_mem>>
        %dma_wait3A_219 = tpu.memref_squeeze %dma_wait3A_218 : memref<1x!tpu.dma_semaphore, #tpu.memory_space<semaphore_mem>> -> memref<!tpu.dma_semaphore, #tpu.memory_space<semaphore_mem>>
        %dma_wait3A_220 = arith.constant 0 : i32
        %dma_wait3A_221 = tpu.memref_slice %arg7[%rem3A_170, %dma_wait3A_220] : memref<3x128xi32, #tpu.memory_space<vmem>> -> memref<1x128xi32, #tpu.memory_space<vmem>>
        %dma_wait3A_222 = tpu.memref_squeeze %dma_wait3A_221 : memref<1x128xi32, #tpu.memory_space<vmem>> -> memref<128xi32, #tpu.memory_space<vmem>>
        %dma_wait3A_223 = tpu.memref_slice %arg3[%add3A_213] : memref<320000xi32, #tpu.memory_space<hbm>> -> memref<128xi32, #tpu.memory_space<hbm>>
        tpu.wait_dma2 semaphore(%dma_wait3A_219 : memref<!tpu.dma_semaphore, #tpu.memory_space<semaphore_mem>>) src(%dma_wait3A_223 : memref<128xi32, #tpu.memory_space<hbm>>) dst(%dma_wait3A_222 : memref<128xi32, #tpu.memory_space<vmem>>)
        %add3A_224 = arith.constant 2 : i32
        %add3A_225 = arith.addi %scan3A_165, %add3A_224 : i32
        %mul3A_226 = arith.constant 128 : i32
        %mul3A_227 = arith.muli %add3A_225, %mul3A_226 : i32
        %add3A_228 = arith.addi %mul3A_2, %mul3A_227 : i32
        %dma_start3A_229 = arith.constant 0 : i32
        %dma_start3A_230 = tpu.memref_slice %arg8[%rem3A_166, %dma_start3A_229] : memref<2x128xi32, #tpu.memory_space<vmem>> -> memref<1x128xi32, #tpu.memory_space<vmem>>
        %dma_start3A_231 = tpu.memref_squeeze %dma_start3A_230 : memref<1x128xi32, #tpu.memory_space<vmem>> -> memref<128xi32, #tpu.memory_space<vmem>>
        %dma_start3A_232 = tpu.memref_slice %arg4[%add3A_228] : memref<320000xi32, #tpu.memory_space<hbm>> -> memref<128xi32, #tpu.memory_space<hbm>>
        %dma_start3A_233 = tpu.memref_slice %arg14[%rem3A_166] : memref<2x!tpu.dma_semaphore, #tpu.memory_space<semaphore_mem>> -> memref<1x!tpu.dma_semaphore, #tpu.memory_space<semaphore_mem>>
        %dma_start3A_234 = tpu.memref_squeeze %dma_start3A_233 : memref<1x!tpu.dma_semaphore, #tpu.memory_space<semaphore_mem>> -> memref<!tpu.dma_semaphore, #tpu.memory_space<semaphore_mem>>
        %dma_start3A_235 = arith.constant 0 : i32
        %dma_start3A_236 = tpu.memref_slice %arg8[%rem3A_166, %dma_start3A_235] : memref<2x128xi32, #tpu.memory_space<vmem>> -> memref<1x128xi32, #tpu.memory_space<vmem>>
        %dma_start3A_237 = tpu.memref_squeeze %dma_start3A_236 : memref<1x128xi32, #tpu.memory_space<vmem>> -> memref<128xi32, #tpu.memory_space<vmem>>
        %dma_start3A_238 = tpu.memref_slice %arg4[%add3A_228] : memref<320000xi32, #tpu.memory_space<hbm>> -> memref<128xi32, #tpu.memory_space<hbm>>
        tpu.enqueue_dma source(%dma_start3A_238 : memref<128xi32, #tpu.memory_space<hbm>>) target(%dma_start3A_237 : memref<128xi32, #tpu.memory_space<vmem>>) target_semaphore(%dma_start3A_234 : memref<!tpu.dma_semaphore, #tpu.memory_space<semaphore_mem>>)
        %dma_start3A_239 = arith.constant 0 : i32
        %dma_start3A_240 = arith.constant 0 : i32
        %dma_start3A_241 = tpu.memref_slice %arg9[%rem3A_166, %dma_start3A_239, %dma_start3A_240] : memref<2x128x128xf32, #tpu.memory_space<vmem>> -> memref<1x128x128xf32, #tpu.memory_space<vmem>>
        %dma_start3A_242 = tpu.memref_squeeze %dma_start3A_241 : memref<1x128x128xf32, #tpu.memory_space<vmem>> -> memref<128x128xf32, #tpu.memory_space<vmem>>
        %dma_start3A_243 = arith.constant 0 : i32
        %dma_start3A_244 = tpu.memref_slice %arg7[%rem3A_170, %dma_start3A_243] : memref<3x128xi32, #tpu.memory_space<vmem>> -> memref<1x128xi32, #tpu.memory_space<vmem>>
        %dma_start3A_245 = tpu.memref_squeeze %dma_start3A_244 : memref<1x128xi32, #tpu.memory_space<vmem>> -> memref<128xi32, #tpu.memory_space<vmem>>
        %dma_start3A_246 = arith.constant 0 : i32
        %dma_start3A_247 = arith.constant 0 : i32
        %dma_start3A_248 = tpu.memref_slice %arg2[%dma_start3A_246, %dma_start3A_247] : memref<10000x128xf32, #tpu.memory_space<hbm>> -> memref<10000x128xf32, #tpu.memory_space<hbm>>
        %dma_start3A_249 = tpu.memref_slice %arg13[%rem3A_166] : memref<2x!tpu.dma_semaphore, #tpu.memory_space<semaphore_mem>> -> memref<1x!tpu.dma_semaphore, #tpu.memory_space<semaphore_mem>>
        %dma_start3A_250 = tpu.memref_squeeze %dma_start3A_249 : memref<1x!tpu.dma_semaphore, #tpu.memory_space<semaphore_mem>> -> memref<!tpu.dma_semaphore, #tpu.memory_space<semaphore_mem>>
        tpu.enqueue_indirect_dma source(%dma_start3A_248 : memref<10000x128xf32, #tpu.memory_space<hbm>>) target(%dma_start3A_242 : memref<128x128xf32, #tpu.memory_space<vmem>>) offsets(%dma_start3A_245 : memref<128xi32, #tpu.memory_space<vmem>>) semaphore(%dma_start3A_250 : memref<!tpu.dma_semaphore, #tpu.memory_space<semaphore_mem>>)
      } else {
      }
      %add3A_202 = arith.constant 3 : i32
      %add3A_203 = arith.addi %scan3A_165, %add3A_202 : i32
      %lt3A_204 = arith.constant 78 : i32
      %lt3A_205 = arith.cmpi slt, %add3A_203, %lt3A_204 : i32
      %convert_element_type3A_206 = arith.extui %lt3A_205 : i1 to i32
      %cond3A_207 = arith.constant 0 : i32
      %cond3A_208 = arith.cmpi ne, %convert_element_type3A_206, %cond3A_207 : i32
      scf.if %cond3A_208 {
        %add3A_209 = arith.constant 3 : i32
        %add3A_210 = arith.addi %scan3A_165, %add3A_209 : i32
        %rem3A_211 = arith.constant 3 : i32
        %rem3A_212 = arith.remsi %add3A_210, %rem3A_211 : i32
        %add3A_213 = arith.constant 3 : i32
        %add3A_214 = arith.addi %scan3A_165, %add3A_213 : i32
        %mul3A_215 = arith.constant 128 : i32
        %mul3A_216 = arith.muli %add3A_214, %mul3A_215 : i32
        %add3A_217 = arith.addi %mul3A_2, %mul3A_216 : i32
        %dma_start3A_218 = arith.constant 0 : i32
        %dma_start3A_219 = tpu.memref_slice %arg7[%rem3A_212, %dma_start3A_218] : memref<3x128xi32, #tpu.memory_space<vmem>> -> memref<1x128xi32, #tpu.memory_space<vmem>>
        %dma_start3A_220 = tpu.memref_squeeze %dma_start3A_219 : memref<1x128xi32, #tpu.memory_space<vmem>> -> memref<128xi32, #tpu.memory_space<vmem>>
        %dma_start3A_221 = tpu.memref_slice %arg3[%add3A_217] : memref<320000xi32, #tpu.memory_space<hbm>> -> memref<128xi32, #tpu.memory_space<hbm>>
        %dma_start3A_222 = tpu.memref_slice %arg15[%rem3A_212] : memref<3x!tpu.dma_semaphore, #tpu.memory_space<semaphore_mem>> -> memref<1x!tpu.dma_semaphore, #tpu.memory_space<semaphore_mem>>
        %dma_start3A_223 = tpu.memref_squeeze %dma_start3A_222 : memref<1x!tpu.dma_semaphore, #tpu.memory_space<semaphore_mem>> -> memref<!tpu.dma_semaphore, #tpu.memory_space<semaphore_mem>>
        %dma_start3A_224 = arith.constant 0 : i32
        %dma_start3A_225 = tpu.memref_slice %arg7[%rem3A_212, %dma_start3A_224] : memref<3x128xi32, #tpu.memory_space<vmem>> -> memref<1x128xi32, #tpu.memory_space<vmem>>
        %dma_start3A_226 = tpu.memref_squeeze %dma_start3A_225 : memref<1x128xi32, #tpu.memory_space<vmem>> -> memref<128xi32, #tpu.memory_space<vmem>>
        %dma_start3A_227 = tpu.memref_slice %arg3[%add3A_217] : memref<320000xi32, #tpu.memory_space<hbm>> -> memref<128xi32, #tpu.memory_space<hbm>>
        tpu.enqueue_dma source(%dma_start3A_227 : memref<128xi32, #tpu.memory_space<hbm>>) target(%dma_start3A_226 : memref<128xi32, #tpu.memory_space<vmem>>) target_semaphore(%dma_start3A_223 : memref<!tpu.dma_semaphore, #tpu.memory_space<semaphore_mem>>)
      } else {
      }
    }
    %scan3A_135 = arith.constant 78 : i32
    %add3A_136 = arith.constant 9984 : i32
    %add3A_137 = arith.addi %mul3A_2, %add3A_136 : i32
    "tpu.region"() ({
      %run_scoped3A_165 = tpu.sem_alloc : memref<!tpu.dma_semaphore, #tpu.memory_space<semaphore_mem>>
      %dma_start3A_166 = tpu.memref_slice %arg3[%add3A_137] : memref<320000xi32, #tpu.memory_space<hbm>> -> memref<16xi32, #tpu.memory_space<hbm>>
      %dma_start3A_167 = tpu.memref_slice %arg3[%add3A_137] : memref<320000xi32, #tpu.memory_space<hbm>> -> memref<16xi32, #tpu.memory_space<hbm>>
      tpu.enqueue_dma source(%dma_start3A_167 : memref<16xi32, #tpu.memory_space<hbm>>) target(%arg11 : memref<16xi32, #tpu.memory_space<vmem>>) target_semaphore(%run_scoped3A_165 : memref<!tpu.dma_semaphore, #tpu.memory_space<semaphore_mem>>)
      %dma_wait3A_168 = tpu.memref_slice %arg3[%add3A_137] : memref<320000xi32, #tpu.memory_space<hbm>> -> memref<16xi32, #tpu.memory_space<hbm>>
      %dma_wait3A_169 = tpu.memref_slice %arg3[%add3A_137] : memref<320000xi32, #tpu.memory_space<hbm>> -> memref<16xi32, #tpu.memory_space<hbm>>
      tpu.wait_dma2 semaphore(%run_scoped3A_165 : memref<!tpu.dma_semaphore, #tpu.memory_space<semaphore_mem>>) src(%dma_wait3A_169 : memref<16xi32, #tpu.memory_space<hbm>>) dst(%arg11 : memref<16xi32, #tpu.memory_space<vmem>>)
      tpu.yield
    }) : () -> ()
    %dma_start3A_138 = arith.constant 0 : i32
    %dma_start3A_139 = arith.constant 0 : i32
    %dma_start3A_140 = arith.constant 0 : i32
    %dma_start3A_141 = arith.constant 0 : i32
    %dma_start3A_142 = tpu.memref_slice %arg9[%dma_start3A_138, %dma_start3A_140, %dma_start3A_141] : memref<2x128x128xf32, #tpu.memory_space<vmem>> -> memref<1x16x128xf32, #tpu.memory_space<vmem>>
    %dma_start3A_143 = tpu.memref_squeeze %dma_start3A_142 : memref<1x16x128xf32, #tpu.memory_space<vmem>> -> memref<16x128xf32, #tpu.memory_space<vmem>>
    %dma_start3A_144 = arith.constant 0 : i32
    %dma_start3A_145 = arith.constant 0 : i32
    %dma_start3A_146 = tpu.memref_slice %arg2[%dma_start3A_144, %dma_start3A_145] : memref<10000x128xf32, #tpu.memory_space<hbm>> -> memref<10000x128xf32, #tpu.memory_space<hbm>>
    %dma_start3A_147 = tpu.memref_slice %arg13[%dma_start3A_139] : memref<2x!tpu.dma_semaphore, #tpu.memory_space<semaphore_mem>> -> memref<1x!tpu.dma_semaphore, #tpu.memory_space<semaphore_mem>>
    %dma_start3A_148 = tpu.memref_squeeze %dma_start3A_147 : memref<1x!tpu.dma_semaphore, #tpu.memory_space<semaphore_mem>> -> memref<!tpu.dma_semaphore, #tpu.memory_space<semaphore_mem>>
    tpu.enqueue_indirect_dma source(%dma_start3A_146 : memref<10000x128xf32, #tpu.memory_space<hbm>>) target(%dma_start3A_143 : memref<16x128xf32, #tpu.memory_space<vmem>>) offsets(%arg11 : memref<16xi32, #tpu.memory_space<vmem>>) semaphore(%dma_start3A_148 : memref<!tpu.dma_semaphore, #tpu.memory_space<semaphore_mem>>)
    %dma_wait3A_149 = arith.constant 0 : i32
    %dma_wait3A_150 = arith.constant 0 : i32
    %dma_wait3A_151 = arith.constant 0 : i32
    %dma_wait3A_152 = arith.constant 0 : i32
    %dma_wait3A_153 = tpu.memref_slice %arg9[%dma_wait3A_149, %dma_wait3A_151, %dma_wait3A_152] : memref<2x128x128xf32, #tpu.memory_space<vmem>> -> memref<1x16x128xf32, #tpu.memory_space<vmem>>
    %dma_wait3A_154 = tpu.memref_squeeze %dma_wait3A_153 : memref<1x16x128xf32, #tpu.memory_space<vmem>> -> memref<16x128xf32, #tpu.memory_space<vmem>>
    %dma_wait3A_155 = arith.constant 0 : i32
    %dma_wait3A_156 = arith.constant 0 : i32
    %dma_wait3A_157 = tpu.memref_slice %arg2[%dma_wait3A_155, %dma_wait3A_156] : memref<10000x128xf32, #tpu.memory_space<hbm>> -> memref<10000x128xf32, #tpu.memory_space<hbm>>
    %dma_wait3A_158 = tpu.memref_slice %arg13[%dma_wait3A_150] : memref<2x!tpu.dma_semaphore, #tpu.memory_space<semaphore_mem>> -> memref<1x!tpu.dma_semaphore, #tpu.memory_space<semaphore_mem>>
    %dma_wait3A_159 = tpu.memref_squeeze %dma_wait3A_158 : memref<1x!tpu.dma_semaphore, #tpu.memory_space<semaphore_mem>> -> memref<!tpu.dma_semaphore, #tpu.memory_space<semaphore_mem>>
    tpu.wait_indirect_dma semaphore(%dma_wait3A_159 : memref<!tpu.dma_semaphore, #tpu.memory_space<semaphore_mem>>) src(%dma_wait3A_157 : memref<10000x128xf32, #tpu.memory_space<hbm>>) dst(%dma_wait3A_154 : memref<16x128xf32, #tpu.memory_space<vmem>>)
    "tpu.region"() ({
      %run_scoped3A_165 = tpu.sem_alloc : memref<!tpu.dma_semaphore, #tpu.memory_space<semaphore_mem>>
      %dma_start3A_166 = tpu.memref_slice %arg4[%add3A_137] : memref<320000xi32, #tpu.memory_space<hbm>> -> memref<16xi32, #tpu.memory_space<hbm>>
      %dma_start3A_167 = tpu.memref_slice %arg4[%add3A_137] : memref<320000xi32, #tpu.memory_space<hbm>> -> memref<16xi32, #tpu.memory_space<hbm>>
      tpu.enqueue_dma source(%dma_start3A_167 : memref<16xi32, #tpu.memory_space<hbm>>) target(%arg12 : memref<16xi32, #tpu.memory_space<vmem>>) target_semaphore(%run_scoped3A_165 : memref<!tpu.dma_semaphore, #tpu.memory_space<semaphore_mem>>)
      %dma_wait3A_168 = tpu.memref_slice %arg4[%add3A_137] : memref<320000xi32, #tpu.memory_space<hbm>> -> memref<16xi32, #tpu.memory_space<hbm>>
      %dma_wait3A_169 = tpu.memref_slice %arg4[%add3A_137] : memref<320000xi32, #tpu.memory_space<hbm>> -> memref<16xi32, #tpu.memory_space<hbm>>
      tpu.wait_dma2 semaphore(%run_scoped3A_165 : memref<!tpu.dma_semaphore, #tpu.memory_space<semaphore_mem>>) src(%dma_wait3A_169 : memref<16xi32, #tpu.memory_space<hbm>>) dst(%arg12 : memref<16xi32, #tpu.memory_space<vmem>>)
      tpu.yield
    }) : () -> ()
    %run_scoped3A = arith.constant 0 : i32
    "tpu.region"() ({
      %run_scoped3A_165 = tpu.sem_alloc : memref<!tpu.dma_semaphore, #tpu.memory_space<semaphore_mem>>
      %dma_start3A_166 = arith.constant 0 : i32
      %dma_start3A_167 = arith.constant 0 : i32
      %dma_start3A_168 = tpu.memref_slice %arg9[%run_scoped3A, %dma_start3A_166, %dma_start3A_167] : memref<2x128x128xf32, #tpu.memory_space<vmem>> -> memref<1x16x128xf32, #tpu.memory_space<vmem>>
      %dma_start3A_169 = tpu.memref_squeeze %dma_start3A_168 : memref<1x16x128xf32, #tpu.memory_space<vmem>> -> memref<16x128xf32, #tpu.memory_space<vmem>>
      %dma_start3A_170 = arith.constant 0 : i32
      %dma_start3A_171 = arith.constant 0 : i32
      %dma_start3A_172 = tpu.memref_slice %arg10[%dma_start3A_170, %dma_start3A_171] : memref<10240x128xf32, #tpu.memory_space<vmem_shared>> -> memref<10240x128xf32, #tpu.memory_space<vmem_shared>>
      tpu.enqueue_indirect_dma source(%dma_start3A_169 : memref<16x128xf32, #tpu.memory_space<vmem>>) target(%dma_start3A_172 : memref<10240x128xf32, #tpu.memory_space<vmem_shared>>) offsets(%arg12 : memref<16xi32, #tpu.memory_space<vmem>>) semaphore(%run_scoped3A_165 : memref<!tpu.dma_semaphore, #tpu.memory_space<semaphore_mem>>) {add = true}
      %dma_wait3A_173 = arith.constant 0 : i32
      %dma_wait3A_174 = arith.constant 0 : i32
      %dma_wait3A_175 = tpu.memref_slice %arg9[%run_scoped3A, %dma_wait3A_173, %dma_wait3A_174] : memref<2x128x128xf32, #tpu.memory_space<vmem>> -> memref<1x16x128xf32, #tpu.memory_space<vmem>>
      %dma_wait3A_176 = tpu.memref_squeeze %dma_wait3A_175 : memref<1x16x128xf32, #tpu.memory_space<vmem>> -> memref<16x128xf32, #tpu.memory_space<vmem>>
      %dma_wait3A_177 = arith.constant 0 : i32
      %dma_wait3A_178 = arith.constant 0 : i32
      %dma_wait3A_179 = tpu.memref_slice %arg10[%dma_wait3A_177, %dma_wait3A_178] : memref<10240x128xf32, #tpu.memory_space<vmem_shared>> -> memref<10240x128xf32, #tpu.memory_space<vmem_shared>>
      tpu.wait_indirect_dma semaphore(%run_scoped3A_165 : memref<!tpu.dma_semaphore, #tpu.memory_space<semaphore_mem>>) src(%dma_wait3A_176 : memref<16x128xf32, #tpu.memory_space<vmem>>) dst(%dma_wait3A_179 : memref<10240x128xf32, #tpu.memory_space<vmem_shared>>)
      tpu.yield
    }) : () -> ()
    %barrier3A_160 = arith.constant 0 : index
    tpu.barrier barrier_id(%barrier3A_160)
    %mul3A_161 = arith.constant 640 : i32
    %mul3A_162 = arith.muli %arg1, %mul3A_161 : i32
    %mul3A_163 = arith.constant 640 : i32
    %mul3A_164 = arith.muli %arg1, %mul3A_163 : i32
    "tpu.region"() ({
      %run_scoped3A_165 = tpu.sem_alloc : memref<!tpu.dma_semaphore, #tpu.memory_space<semaphore_mem>>
      %dma_start3A_166 = arith.constant 0 : i32
      %dma_start3A_167 = tpu.memref_slice %arg6[%arg0, %mul3A_164, %dma_start3A_166] : memref<2x10240x128xf32, #tpu.memory_space<hbm>> -> memref<1x640x128xf32, #tpu.memory_space<hbm>>
      %dma_start3A_168 = tpu.memref_squeeze %dma_start3A_167 : memref<1x640x128xf32, #tpu.memory_space<hbm>> -> memref<640x128xf32, #tpu.memory_space<hbm>>
      %dma_start3A_169 = arith.constant 0 : i32
      %dma_start3A_170 = tpu.memref_slice %arg10[%mul3A_162, %dma_start3A_169] : memref<10240x128xf32, #tpu.memory_space<vmem_shared>> -> memref<640x128xf32, #tpu.memory_space<vmem_shared>>
      tpu.enqueue_dma source(%dma_start3A_170 : memref<640x128xf32, #tpu.memory_space<vmem_shared>>) target(%dma_start3A_168 : memref<640x128xf32, #tpu.memory_space<hbm>>) target_semaphore(%run_scoped3A_165 : memref<!tpu.dma_semaphore, #tpu.memory_space<semaphore_mem>>)
      %dma_wait3A_171 = arith.constant 0 : i32
      %dma_wait3A_172 = tpu.memref_slice %arg6[%arg0, %mul3A_164, %dma_wait3A_171] : memref<2x10240x128xf32, #tpu.memory_space<hbm>> -> memref<1x640x128xf32, #tpu.memory_space<hbm>>
      %dma_wait3A_173 = tpu.memref_squeeze %dma_wait3A_172 : memref<1x640x128xf32, #tpu.memory_space<hbm>> -> memref<640x128xf32, #tpu.memory_space<hbm>>
      %dma_wait3A_174 = arith.constant 0 : i32
      %dma_wait3A_175 = tpu.memref_slice %arg10[%mul3A_162, %dma_wait3A_174] : memref<10240x128xf32, #tpu.memory_space<vmem_shared>> -> memref<640x128xf32, #tpu.memory_space<vmem_shared>>
      tpu.wait_dma2 semaphore(%run_scoped3A_165 : memref<!tpu.dma_semaphore, #tpu.memory_space<semaphore_mem>>) src(%dma_wait3A_175 : memref<640x128xf32, #tpu.memory_space<vmem_shared>>) dst(%dma_wait3A_173 : memref<640x128xf32, #tpu.memory_space<hbm>>)
      tpu.yield
    }) : () -> ()
    return
  }
}

module attributes {stable_mosaic.version = 14 : i64} {
  func.func @_prep_body(%arg0: memref<10240x32xf32, #tpu.memory_space<vmem>>, %arg1: memref<10000x128xf32, #tpu.memory_space<vmem>>, %arg2: memref<10240x1xf32, #tpu.memory_space<vmem>>, %arg3: memref<10000x128xf32, #tpu.memory_space<vmem>>) attributes {dimension_semantics = [], scalar_prefetch = 0 : i64, scratch_operands = 0 : i64, tpu.core_type = #tpu.core_type<tc>} {
    %get3A = arith.constant 0 : index
    %get3A_0 = arith.constant 0 : index
    %get3A_1 = vector.load %arg0[%get3A, %get3A_0] : memref<10240x32xf32, #tpu.memory_space<vmem>>, vector<10240x32xf32>
    %reduce_sum3A = arith.constant dense<0.000000e+00> : vector<10240xf32>
    %reduce_sum3A_2 = vector.multi_reduction <add>, %get3A_1, %reduce_sum3A [1] : vector<10240x32xf32> to vector<10240xf32>
    %broadcast_in_dim3A = vector.shape_cast %reduce_sum3A_2 : vector<10240xf32> to vector<10240x1xf32>
    %add3A = arith.constant 1.000000e+00 : f32
    %add3A_3 = vector.broadcast %add3A : f32 to vector<10240x1xf32>
    %add3A_4 = arith.addf %broadcast_in_dim3A, %add3A_3 : vector<10240x1xf32>
    %rsqrt3A = math.rsqrt %add3A_4 : vector<10240x1xf32>
    %swap3A = arith.constant 0 : index
    %swap3A_5 = arith.constant 0 : index
    %swap3A_6 = vector.load %arg2[%swap3A, %swap3A_5] : memref<10240x1xf32, #tpu.memory_space<vmem>>, vector<10240x1xf32>
    tpu.vector_store %arg2[%swap3A, %swap3A_5], %rsqrt3A {strides = array<i32>} : memref<10240x1xf32, #tpu.memory_space<vmem>>, vector<10240x1xf32>,
    %get3A_7 = arith.constant 0 : index
    %get3A_8 = arith.constant 0 : index
    %get3A_9 = vector.load %arg1[%get3A_7, %get3A_8] : memref<10000x128xf32, #tpu.memory_space<vmem>>, vector<10000x128xf32>
    %slice3A = vector.extract_strided_slice %rsqrt3A {offsets = [0, 0], sizes = [10000, 1], strides = [1, 1]} : vector<10240x1xf32> to vector<10000x1xf32>
    %mul3A = vector.broadcast %slice3A : vector<10000x1xf32> to vector<10000x128xf32>
    %mul3A_10 = arith.mulf %get3A_9, %mul3A : vector<10000x128xf32>
    %swap3A_11 = arith.constant 0 : index
    %swap3A_12 = arith.constant 0 : index
    %swap3A_13 = vector.load %arg3[%swap3A_11, %swap3A_12] : memref<10000x128xf32, #tpu.memory_space<vmem>>, vector<10000x128xf32>
    tpu.vector_store %arg3[%swap3A_11, %swap3A_12], %mul3A_10 {strides = array<i32>} : memref<10000x128xf32, #tpu.memory_space<vmem>>, vector<10000x128xf32>,
    return
  }
}

module attributes {stable_mosaic.version = 14 : i64} {
  func.func @_mid_body(%arg0: i32, %arg1: memref<1000x128xf32, #tpu.memory_space<vmem>>, %arg2: memref<2x1000x128xf32, #tpu.memory_space<vmem>>, %arg3: memref<1000x1xf32, #tpu.memory_space<vmem>>, %arg4: memref<128x512xf32, #tpu.memory_space<vmem>>, %arg5: memref<1x512xf32, #tpu.memory_space<vmem>>, %arg6: memref<1x512xf32, #tpu.memory_space<vmem>>, %arg7: memref<512x128xf32, #tpu.memory_space<vmem>>, %arg8: memref<1000x128xf32, #tpu.memory_space<vmem>>) attributes {dimension_semantics = [#tpu.dimension_semantics<arbitrary>], iteration_bounds = array<i64: 10>, scalar_prefetch = 0 : i64, scratch_operands = 0 : i64, tpu.core_type = #tpu.core_type<tc>, window_params = [{transform_indices = @transform_0, window_bounds = array<i64: 1000, 128>}, {transform_indices = @transform_1, window_bounds = array<i64: 2, 1000, 128>}, {transform_indices = @transform_2, window_bounds = array<i64: 1000, 1>}, {pipeline_mode = #tpu.pipeline_mode<synchronous>, transform_indices = @transform_3, window_bounds = array<i64: 128, 512>}, {pipeline_mode = #tpu.pipeline_mode<synchronous>, transform_indices = @transform_4, window_bounds = array<i64: 1, 512>}, {pipeline_mode = #tpu.pipeline_mode<synchronous>, transform_indices = @transform_5, window_bounds = array<i64: 1, 512>}, {pipeline_mode = #tpu.pipeline_mode<synchronous>, transform_indices = @transform_6, window_bounds = array<i64: 512, 128>}, {transform_indices = @transform_7, window_bounds = array<i64: 1000, 128>}]} {
    %get3A = arith.constant 0 : index
    %get3A_0 = arith.constant 0 : index
    %get3A_1 = vector.load %arg1[%get3A, %get3A_0] : memref<1000x128xf32, #tpu.memory_space<vmem>>, vector<1000x128xf32>
    %get3A_2 = arith.constant 0 : index
    %get3A_3 = arith.constant 0 : index
    %get3A_4 = arith.constant 0 : index
    %get3A_5 = vector.load %arg2[%get3A_2, %get3A_3, %get3A_4] : memref<2x1000x128xf32, #tpu.memory_space<vmem>>, vector<1x1000x128xf32>
    %get3A_6 = vector.shape_cast %get3A_5 : vector<1x1000x128xf32> to vector<1000x128xf32>
    %add3A = arith.addf %get3A_1, %get3A_6 : vector<1000x128xf32>
    %get3A_7 = arith.constant 1 : index
    %get3A_8 = arith.constant 0 : index
    %get3A_9 = arith.constant 0 : index
    %get3A_10 = vector.load %arg2[%get3A_7, %get3A_8, %get3A_9] : memref<2x1000x128xf32, #tpu.memory_space<vmem>>, vector<1x1000x128xf32>
    %get3A_11 = vector.shape_cast %get3A_10 : vector<1x1000x128xf32> to vector<1000x128xf32>
    %add3A_12 = arith.addf %add3A, %get3A_11 : vector<1000x128xf32>
    %get3A_13 = arith.constant 0 : index
    %get3A_14 = arith.constant 0 : index
    %get3A_15 = vector.load %arg3[%get3A_13, %get3A_14] : memref<1000x1xf32, #tpu.memory_space<vmem>>, vector<1000x1xf32>
    %mul3A = vector.broadcast %get3A_15 : vector<1000x1xf32> to vector<1000x128xf32>
    %mul3A_16 = arith.mulf %add3A_12, %mul3A : vector<1000x128xf32>
    %convert_element_type3A = arith.truncf %mul3A_16 : vector<1000x128xf32> to vector<1000x128xbf16>
    %get3A_17 = arith.constant 0 : index
    %get3A_18 = arith.constant 0 : index
    %get3A_19 = vector.load %arg4[%get3A_17, %get3A_18] : memref<128x512xf32, #tpu.memory_space<vmem>>, vector<128x512xf32>
    %convert_element_type3A_20 = arith.truncf %get3A_19 : vector<128x512xf32> to vector<128x512xbf16>
    %dot_general3A = arith.constant dense<0.000000e+00> : vector<1000x512xf32>
    %dot_general3A_21 = tpu.matmul %convert_element_type3A, %convert_element_type3A_20, %dot_general3A {dimension_numbers = #tpu.dot_dimension_numbers<[1], [0], [0], [1], [0, 0, 1, 1], [], []>, transpose_lhs_hint = false} : vector<1000x128xbf16>, vector<128x512xbf16>, vector<1000x512xf32> -> vector<1000x512xf32>
    %get3A_22 = arith.constant 0 : index
    %get3A_23 = arith.constant 0 : index
    %get3A_24 = vector.load %arg5[%get3A_22, %get3A_23] : memref<1x512xf32, #tpu.memory_space<vmem>>, vector<1x512xf32>
    %add3A_25 = vector.broadcast %get3A_24 : vector<1x512xf32> to vector<1000x512xf32>
    %add3A_26 = arith.addf %dot_general3A_21, %add3A_25 : vector<1000x512xf32>
    %ge3A = arith.constant 0.000000e+00 : f32
    %ge3A_27 = vector.broadcast %ge3A : f32 to vector<1000x512xf32>
    %ge3A_28 = arith.cmpf oge, %add3A_26, %ge3A_27 : vector<1000x512xf32>
    %get3A_29 = arith.constant 0 : index
    %get3A_30 = arith.constant 0 : index
    %get3A_31 = vector.load %arg6[%get3A_29, %get3A_30] : memref<1x512xf32, #tpu.memory_space<vmem>>, vector<1x512xf32>
    %mul3A_32 = vector.broadcast %get3A_31 : vector<1x512xf32> to vector<1000x512xf32>
    %mul3A_33 = arith.mulf %add3A_26, %mul3A_32 : vector<1000x512xf32>
    %select_n3A = arith.select %ge3A_28, %add3A_26, %mul3A_33 : vector<1000x512xi1>, vector<1000x512xf32>
    %convert_element_type3A_34 = arith.truncf %select_n3A : vector<1000x512xf32> to vector<1000x512xbf16>
    %get3A_35 = arith.constant 0 : index
    %get3A_36 = arith.constant 0 : index
    %get3A_37 = vector.load %arg7[%get3A_35, %get3A_36] : memref<512x128xf32, #tpu.memory_space<vmem>>, vector<512x128xf32>
    %convert_element_type3A_38 = arith.truncf %get3A_37 : vector<512x128xf32> to vector<512x128xbf16>
    %dot_general3A_39 = arith.constant dense<0.000000e+00> : vector<1000x128xf32>
    %dot_general3A_40 = tpu.matmul %convert_element_type3A_34, %convert_element_type3A_38, %dot_general3A_39 {dimension_numbers = #tpu.dot_dimension_numbers<[1], [0], [0], [1], [0, 0, 1, 1], [], []>, transpose_lhs_hint = false} : vector<1000x512xbf16>, vector<512x128xbf16>, vector<1000x128xf32> -> vector<1000x128xf32>
    %get3A_41 = arith.constant 0 : index
    %get3A_42 = arith.constant 0 : index
    %get3A_43 = vector.load %arg3[%get3A_41, %get3A_42] : memref<1000x1xf32, #tpu.memory_space<vmem>>, vector<1000x1xf32>
    %mul3A_44 = vector.broadcast %get3A_43 : vector<1000x1xf32> to vector<1000x128xf32>
    %mul3A_45 = arith.mulf %dot_general3A_40, %mul3A_44 : vector<1000x128xf32>
    %swap3A = arith.constant 0 : index
    %swap3A_46 = arith.constant 0 : index
    %swap3A_47 = vector.load %arg8[%swap3A, %swap3A_46] : memref<1000x128xf32, #tpu.memory_space<vmem>>, vector<1000x128xf32>
    tpu.vector_store %arg8[%swap3A, %swap3A_46], %mul3A_45 {strides = array<i32>} : memref<1000x128xf32, #tpu.memory_space<vmem>>, vector<1000x128xf32>,
    return
  }
  func.func @transform_0(%arg0: i32) -> (i32, i32) {
    %c0_i32 = arith.constant 0 : i32
    %c0_i32_0 = arith.constant 0 : i32
    return %arg0, %c0_i32 : i32, i32
  }
  func.func @transform_1(%arg0: i32) -> (i32, i32, i32) {
    %c0_i32 = arith.constant 0 : i32
    %c0_i32_0 = arith.constant 0 : i32
    %c0_i32_1 = arith.constant 0 : i32
    return %c0_i32, %arg0, %c0_i32_0 : i32, i32, i32
  }
  func.func @transform_2(%arg0: i32) -> (i32, i32) {
    %c0_i32 = arith.constant 0 : i32
    %c0_i32_0 = arith.constant 0 : i32
    return %arg0, %c0_i32 : i32, i32
  }
  func.func @transform_3(%arg0: i32) -> (i32, i32) {
    %c0_i32 = arith.constant 0 : i32
    %c0_i32_0 = arith.constant 0 : i32
    %c0_i32_1 = arith.constant 0 : i32
    return %c0_i32, %c0_i32_0 : i32, i32
  }
  func.func @transform_4(%arg0: i32) -> (i32, i32) {
    %c0_i32 = arith.constant 0 : i32
    %c0_i32_0 = arith.constant 0 : i32
    %c0_i32_1 = arith.constant 0 : i32
    return %c0_i32, %c0_i32_0 : i32, i32
  }
  func.func @transform_5(%arg0: i32) -> (i32, i32) {
    %c0_i32 = arith.constant 0 : i32
    %c0_i32_0 = arith.constant 0 : i32
    %c0_i32_1 = arith.constant 0 : i32
    return %c0_i32, %c0_i32_0 : i32, i32
  }
  func.func @transform_6(%arg0: i32) -> (i32, i32) {
    %c0_i32 = arith.constant 0 : i32
    %c0_i32_0 = arith.constant 0 : i32
    %c0_i32_1 = arith.constant 0 : i32
    return %c0_i32, %c0_i32_0 : i32, i32
  }
  func.func @transform_7(%arg0: i32) -> (i32, i32) {
    %c0_i32 = arith.constant 0 : i32
    %c0_i32_0 = arith.constant 0 : i32
    return %arg0, %c0_i32 : i32, i32
  }
}

module attributes {stable_mosaic.version = 14 : i64} {
  func.func @_fin_body(%arg0: i32, %arg1: memref<1000x128xf32, #tpu.memory_space<vmem>>, %arg2: memref<2x1000x128xf32, #tpu.memory_space<vmem>>, %arg3: memref<1000x1xf32, #tpu.memory_space<vmem>>, %arg4: memref<1x128xf32, #tpu.memory_space<vmem>>, %arg5: memref<1x128xf32, #tpu.memory_space<vmem>>, %arg6: memref<1000x128xf32, #tpu.memory_space<vmem>>) attributes {dimension_semantics = [#tpu.dimension_semantics<arbitrary>], iteration_bounds = array<i64: 10>, scalar_prefetch = 0 : i64, scratch_operands = 0 : i64, tpu.core_type = #tpu.core_type<tc>, window_params = [{transform_indices = @transform_0, window_bounds = array<i64: 1000, 128>}, {transform_indices = @transform_1, window_bounds = array<i64: 2, 1000, 128>}, {transform_indices = @transform_2, window_bounds = array<i64: 1000, 1>}, {pipeline_mode = #tpu.pipeline_mode<synchronous>, transform_indices = @transform_3, window_bounds = array<i64: 1, 128>}, {pipeline_mode = #tpu.pipeline_mode<synchronous>, transform_indices = @transform_4, window_bounds = array<i64: 1, 128>}, {transform_indices = @transform_5, window_bounds = array<i64: 1000, 128>}]} {
    %get3A = arith.constant 0 : index
    %get3A_0 = arith.constant 0 : index
    %get3A_1 = vector.load %arg1[%get3A, %get3A_0] : memref<1000x128xf32, #tpu.memory_space<vmem>>, vector<1000x128xf32>
    %get3A_2 = arith.constant 0 : index
    %get3A_3 = arith.constant 0 : index
    %get3A_4 = arith.constant 0 : index
    %get3A_5 = vector.load %arg2[%get3A_2, %get3A_3, %get3A_4] : memref<2x1000x128xf32, #tpu.memory_space<vmem>>, vector<1x1000x128xf32>
    %get3A_6 = vector.shape_cast %get3A_5 : vector<1x1000x128xf32> to vector<1000x128xf32>
    %add3A = arith.addf %get3A_1, %get3A_6 : vector<1000x128xf32>
    %get3A_7 = arith.constant 1 : index
    %get3A_8 = arith.constant 0 : index
    %get3A_9 = arith.constant 0 : index
    %get3A_10 = vector.load %arg2[%get3A_7, %get3A_8, %get3A_9] : memref<2x1000x128xf32, #tpu.memory_space<vmem>>, vector<1x1000x128xf32>
    %get3A_11 = vector.shape_cast %get3A_10 : vector<1x1000x128xf32> to vector<1000x128xf32>
    %add3A_12 = arith.addf %add3A, %get3A_11 : vector<1000x128xf32>
    %get3A_13 = arith.constant 0 : index
    %get3A_14 = arith.constant 0 : index
    %get3A_15 = vector.load %arg3[%get3A_13, %get3A_14] : memref<1000x1xf32, #tpu.memory_space<vmem>>, vector<1000x1xf32>
    %mul3A = vector.broadcast %get3A_15 : vector<1000x1xf32> to vector<1000x128xf32>
    %mul3A_16 = arith.mulf %add3A_12, %mul3A : vector<1000x128xf32>
    %get3A_17 = arith.constant 0 : index
    %get3A_18 = arith.constant 0 : index
    %get3A_19 = vector.load %arg4[%get3A_17, %get3A_18] : memref<1x128xf32, #tpu.memory_space<vmem>>, vector<1x128xf32>
    %add3A_20 = vector.broadcast %get3A_19 : vector<1x128xf32> to vector<1000x128xf32>
    %add3A_21 = arith.addf %mul3A_16, %add3A_20 : vector<1000x128xf32>
    %ge3A = arith.constant 0.000000e+00 : f32
    %ge3A_22 = vector.broadcast %ge3A : f32 to vector<1000x128xf32>
    %ge3A_23 = arith.cmpf oge, %add3A_21, %ge3A_22 : vector<1000x128xf32>
    %get3A_24 = arith.constant 0 : index
    %get3A_25 = arith.constant 0 : index
    %get3A_26 = vector.load %arg5[%get3A_24, %get3A_25] : memref<1x128xf32, #tpu.memory_space<vmem>>, vector<1x128xf32>
    %mul3A_27 = vector.broadcast %get3A_26 : vector<1x128xf32> to vector<1000x128xf32>
    %mul3A_28 = arith.mulf %add3A_21, %mul3A_27 : vector<1000x128xf32>
    %select_n3A = arith.select %ge3A_23, %add3A_21, %mul3A_28 : vector<1000x128xi1>, vector<1000x128xf32>
    %swap3A = arith.constant 0 : index
    %swap3A_29 = arith.constant 0 : index
    %swap3A_30 = vector.load %arg6[%swap3A, %swap3A_29] : memref<1000x128xf32, #tpu.memory_space<vmem>>, vector<1000x128xf32>
    tpu.vector_store %arg6[%swap3A, %swap3A_29], %select_n3A {strides = array<i32>} : memref<1000x128xf32, #tpu.memory_space<vmem>>, vector<1000x128xf32>,
    return
  }
  func.func @transform_0(%arg0: i32) -> (i32, i32) {
    %c0_i32 = arith.constant 0 : i32
    %c0_i32_0 = arith.constant 0 : i32
    return %arg0, %c0_i32 : i32, i32
  }
  func.func @transform_1(%arg0: i32) -> (i32, i32, i32) {
    %c0_i32 = arith.constant 0 : i32
    %c0_i32_0 = arith.constant 0 : i32
    %c0_i32_1 = arith.constant 0 : i32
    return %c0_i32, %arg0, %c0_i32_0 : i32, i32, i32
  }
  func.func @transform_2(%arg0: i32) -> (i32, i32) {
    %c0_i32 = arith.constant 0 : i32
    %c0_i32_0 = arith.constant 0 : i32
    return %arg0, %c0_i32 : i32, i32
  }
  func.func @transform_3(%arg0: i32) -> (i32, i32) {
    %c0_i32 = arith.constant 0 : i32
    %c0_i32_0 = arith.constant 0 : i32
    %c0_i32_1 = arith.constant 0 : i32
    return %c0_i32, %c0_i32_0 : i32, i32
  }
  func.func @transform_4(%arg0: i32) -> (i32, i32) {
    %c0_i32 = arith.constant 0 : i32
    %c0_i32_0 = arith.constant 0 : i32
    %c0_i32_1 = arith.constant 0 : i32
    return %c0_i32, %c0_i32_0 : i32, i32
  }
  func.func @transform_5(%arg0: i32) -> (i32, i32) {
    %c0_i32 = arith.constant 0 : i32
    %c0_i32_0 = arith.constant 0 : i32
    return %arg0, %c0_i32 : i32, i32
  }
}

</mosaic_0001>

<sc_bundles>
// kernel: kernel.11.cloned.1.call-start
scs
__scs_entry_jumppad:
0x0: {  	(pc) =	sbr.rel $0x88, $3  }
0x1: {  	(tag) =	ssettag $0x0;
	lr =	simm.s32 $0x1  }
0x2: {  	[smem:$0x3F99] =	sst lr;
	_ =	strace $0xD0000000  }
0x3: {  	_ = 	snop  }
0x4: {  	_ = 	snop  }
0x5: {  	_ = 	snop  }
0x6: {  	_ = 	snop  }
0x7: {  	_ = 	snop  }
__scs_overlays_trampoline_lowered:
0x8: {  	[smem:$0x3FA8] =	sst s0  }
0x9: {  	[smem:$0x3FA9] =	sst s1  }
0xa: {  	[smem:$0x3FAA] =	sst s2  }
0xb: {  	[smem:$0x3FAB] =	sst s3  }
0xc: {  	[smem:$0x3FAC] =	sst s4  }
0xd: {  	[smem:$0x3FAD] =	sst s5  }
0xe: {  	[smem:$0x3FAE] =	sst s6  }
0xf: {  	[smem:$0x3FAF] =	sst s7  }
0x10: {  	[smem:$0x3FB0] =	sst s8  }
0x11: {  	[smem:$0x3FB1] =	sst s9;
	s0 =	simm.s32 @!p0 $0x0  }
0x12: {  	s1 =	sld [smem:$0x3F97];
	s0 =	simm.s32 @p0 $0x1  }
0x13: {  	[smem:$0x3FB2] =	sst s0;
	s0 =	simm.s32 @!p1 $0x0  }
0x14: {  	s2 =	sld [smem:$0x3F96];
	s0 =	simm.s32 @p1 $0x1  }
0x15: {  	[smem:$0x3FB3] =	sst s0;
	s0 =	simm.s32 @!p2 $0x0  }
0x16: {  	s3 =	sld [smem:$0x3FDB];
	s0 =	simm.s32 @p2 $0x1  }
0x17: {  	s4 =	simm.s32 $0x1BF5;
	[smem:$0x3FB5] =	sst s0  }
0x18: {  	s0 =	sld [smem:$0x3F98];
	_ =	swait.ge [sflag:s4], $0x0  }
0x19: {  	s7 =	sld [smem:$0x3F99]  }
0x1a: {  	s8 =	sadd.s32 $0xFFFFE003, lr  }
0x1b: {  	s9 =	sadd.s32 $0xFFFFFEF7, lr;
	s5 =	simm.s32 $0xFFFFFFFF;
	p2 =	slt.u32 s8, $0xFFFFF086  }
0x1c: {  	p1 =	slt.u32 s9, $0xF7A;
	s5 =	simm.s32 @!p2 $0x0  }
0x1d: {  	s5 =	simm.s32 @p1 $0x1;
	p0 =	seq.s32 s7, s2  }
0x1e: {  	s7 =	smul.u32 @!p0 $0xF7A, s2;
	p2 =	seq.s32 @!p0 s5, $0x0  }
0x1f: {  	s9 =	smul.u32 $0xF7A, s1;
	s8 =	simm.s32 @!p0 $0x1BF5;
	p2 =	por !p2, p0  }
0x20: {  	[sflag:s8] =	ssyncset.s32 @!p0 $0xFFFFF086;
	s6 =	sadd.s32 @!p0 s3, s7;
	s7 =	simm.s32 @!p0 $0x108  }
0x21: {  	s3 =	sadd.s32 s3, s9;
	s6 =	sadd.s32 @!p0 $0x88, s6;
	s7 =	simm.s32 @p2 $0x1082  }
0x22: {  	[simem:s7], [sflag:s8] =	dma.local @!p0 [hbm:s6], $0xF7A  }
0x23: {  	s9 =	sor.u32 $0xD0000000, s2;
	s6 =	simm.s32 $0x108;
	_ =	swait.ge @!p0 [sflag:s8], $0x0  }
0x24: {  	s3 =	sadd.s32 $0x88, s3;
	s6 =	simm.s32 @!p1 $0x1082;
	[sflag:s4] =	ssyncset.s32 $0xFFFFF086  }
0x25: {  	[simem:s6], [sflag:s4] =	dma.local [hbm:s3], $0xF7A  }
0x26: {  	[smem:$0x3F99] =	sst s1;
	(tag) =	ssettag s2;
	_ =	strace s9  }
0x27: {  	s1 =	sld [smem:$0x3FA9]  }
0x28: {  	s2 =	sld [smem:$0x3FAA]  }
0x29: {  	s4 =	sld [smem:$0x3FAC]  }
0x2a: {  	p0 =	seq.s32 s5, $0x0;
	s5 =	sld [smem:$0x3FAD]  }
0x2b: {  	s6 =	sld [smem:$0x3FAE]  }
0x2c: {  	s7 =	sld [smem:$0x3FAF]  }
0x2d: {  	s3 =	simm.s32 $0x108;
	s8 =	sld [smem:$0x3FB0]  }
0x2e: {  	s3 =	simm.s32 @!p0 $0x1082;
	s9 =	sld [smem:$0x3FB1]  }
0x2f: {  	lr =	sadd.s32 s0, s3;
	s0 =	sld [smem:$0x3FA8]  }
0x30: {  	s3 =	sld [smem:$0x3FAB]  }
0x31: {  	[smem:$0x3FB4] =	sst s10  }
0x32: {  	s10 =	sld [smem:$0x3FB2];
	_ =	sdelay $0x3  }
0x33: {  	p0 =	seq.s32 s10, $0x1;
	s10 =	sld [smem:$0x3FB4];
	_ =	sdelay $0x3  }
0x34: {  	[smem:$0x3FB4] =	sst s10  }
0x35: {  	s10 =	sld [smem:$0x3FB3];
	_ =	sdelay $0x3  }
0x36: {  	p1 =	seq.s32 s10, $0x1;
	s10 =	sld [smem:$0x3FB4];
	_ =	sdelay $0x3  }
0x37: {  	[smem:$0x3FB4] =	sst s10  }
0x38: {  	s10 =	sld [smem:$0x3FB5]  }
0x39: {  	_ = 	snop;
	(pc) =	sbr.ind lr, $3  }
0x3a: {  	_ = 	snop  }
0x3b: {  	_ = 	snop  }
0x3c: {  	p2 =	seq.s32 s10, $0x1;
	s10 =	sld [smem:$0x3FB4]  }
0x3d: {  	_ =	shalt  }
0x3e: {  	_ =	shalt  }
0x3f: {  	_ =	shalt  }
0x40: {  	_ =	shalt  }
0x41: {  	_ =	shalt  }
0x42: {  	_ =	shalt  }
0x43: {  	_ =	shalt  }
0x44: {  	_ =	shalt  }
0x45: {  	_ =	shalt  }
0x46: {  	_ =	shalt  }
0x47: {  	_ =	shalt  }
0x48: {  	_ =	shalt  }
0x49: {  	_ =	shalt  }
0x4a: {  	_ =	shalt  }
0x4b: {  	_ =	shalt  }
0x4c: {  	_ =	shalt  }
0x4d: {  	_ =	shalt  }
0x4e: {  	_ =	shalt  }
0x4f: {  	_ =	shalt  }
0x50: {  	_ =	shalt  }
0x51: {  	_ =	shalt  }
0x52: {  	_ =	shalt  }
0x53: {  	_ =	shalt  }
0x54: {  	_ =	shalt  }
0x55: {  	_ =	shalt  }
0x56: {  	_ =	shalt  }
0x57: {  	_ =	shalt  }
0x58: {  	_ =	shalt  }
0x59: {  	_ =	shalt  }
0x5a: {  	_ =	shalt  }
0x5b: {  	_ =	shalt  }
0x5c: {  	_ =	shalt  }
0x5d: {  	_ =	shalt  }
0x5e: {  	_ =	shalt  }
0x5f: {  	_ =	shalt  }
0x60: {  	_ =	shalt  }
0x61: {  	_ =	shalt  }
0x62: {  	_ =	shalt  }
0x63: {  	_ =	shalt  }
0x64: {  	_ =	shalt  }
0x65: {  	_ =	shalt  }
0x66: {  	_ =	shalt  }
0x67: {  	_ =	shalt  }
0x68: {  	_ =	shalt  }
0x69: {  	_ =	shalt  }
0x6a: {  	_ =	shalt  }
0x6b: {  	_ =	shalt  }
0x6c: {  	_ =	shalt  }
0x6d: {  	_ =	shalt  }
0x6e: {  	_ =	shalt  }
0x6f: {  	_ =	shalt  }
0x70: {  	_ =	shalt  }
0x71: {  	_ =	shalt  }
0x72: {  	_ =	shalt  }
0x73: {  	_ =	shalt  }
0x74: {  	_ =	shalt  }
0x75: {  	_ =	shalt  }
0x76: {  	_ =	shalt  }
0x77: {  	_ =	shalt  }
0x78: {  	_ =	shalt  }
0x79: {  	_ =	shalt  }
0x7a: {  	_ =	shalt  }
0x7b: {  	_ =	shalt  }
0x7c: {  	_ =	shalt  }
0x7d: {  	_ =	shalt  }
0x7e: {  	_ =	shalt  }
0x7f: {  	_ =	shalt  }
0x80: {  	_ =	shalt  }
0x81: {  	_ =	shalt  }
0x82: {  	_ =	shalt  }
0x83: {  	_ =	shalt  }
0x84: {  	_ =	shalt  }
0x85: {  	_ =	shalt  }
0x86: {  	_ =	shalt  }
0x87: {  	_ =	shalt  }
.Lfunc_end0:
.L_simem_size_0:
called_computation.1_lowered:
.L_overlay_start_0:
0x88: {  	s2 =	sld [smem:$0x3FD9]  }
0x89: {  	s3 =	sld [smem:$0x3FFE];
	_ =	sdelay $0x1  }
0x8a: {  	s1 =	srdreg.scid  }
0x8b: {  	s0 =	sand.u32 $0x1, s1  }
0x8c: {  	s17 =	sshll.u32 s0, $0xA;
	s2 =	sadd.s32 s3, s2  }
0x8d: {  	s2 =	sadd.s32 s2, s17  }
0x8e: {  	[smem:$0x3FC0] =	sst s2  }
0x8f: {  	_ = 	snop  }
0x90: {  	s2 =	sld [smem:$0x3FD0];
	(tm) =	ssettm $0x1  }
0x91: {  	s18 =	sld [smem:$0x3FFB];
	_ =	sdelay $0x3  }
0x92: {  	_ =	strace s18  }
0x93: {  	s3 =	sld [smem:$0x3FFC];
	_ =	sdelay $0x3  }
0x94: {  	_ =	strace s3  }
0x95: {  	s3 =	sld [smem:$0x3FFD];
	_ =	sdelay $0x3  }
0x96: {  	_ =	strace s3  }
0x97: {  	_ =	strace $0x8FFFFFFF  }
0x98: {  	s19 =	sld [smem:$0x3FDB];
	_ =	sdelay $0x1  }
0x99: {  	s4 =	simm.s32 $_scs_section_size  }
0x9a: {  	s5 =	simm.s32 $_size__tile_overlayer_lowered;
	s6 =	simm.s32 $_tile_overlayer_lowered  }
0x9b: {  	s22 =	simm.s32 $0x1BFF;
	s21 =	sshll.u32 s6, $0x1;
	s3 =	sadd.s32 s4, s19  }
0x9c: {  	s7 =	simm.s32 $0x0;
	s20 =	sshll.u32 s5, $0x1;
	s5 =	sadd.s32 s21, s3  }
0x9d: {  	[timem:s7], [sflag:s22] =	dma.local [hbm:s5], s20  }
0x9e: {  	_ =	swait.ge [sflag:s22], s20  }
0x9f: {  	s4 =	ssub.s32 $0x0, s20;
	[sflag:s22] =	ssyncset.done $0x0  }
0xa0: {  	[sflag:s22] =	ssyncadd.s32 s4;
	_ =	sdelay $0x1  }
0xa1: {  	s23 =	simm.s32 $0x1B8B  }
0xa2: {  	_ =	swait.ge [sflag:s23], $0x1  }
0xa3: {  	[sflag:s23] =	ssyncset.done $0x0  }
0xa4: {  	s25 =	simm.s32 $0x1B8E;
	s24 =	sld [smem:$0x3FFE];
	[sflag:s23] =	ssyncadd.s32 $0xFFFFFFFF  }
0xa5: {  	s26 =	simm.s32 $execute0_lowered;
	[smem:$0x3FD2] =	sst s25  }
0xa6: {  	s5 =	sshll.u32 s26, $0x1;
	_ =	strace $0x80000049;
	[dreg:$0x1] =	wrdreg $0xFFFFFFFF  }
0xa7: {  	s28 =	simm.s32 $_size_execute0_lowered;
	s3 =	sadd.s32 s3, s5;
	[dreg:$0x0] =	wrdreg $0x0  }
0xa8: {  	s5 =	sshll.u32 s28, $0x1;
	[dreg:$0x2] =	wrdreg s3  }
0xa9: {  	[dreg:$0x3] =	wrdreg s5  }
0xaa: {  	[dreg:$0x4] =	wrdreg $0xC0  }
0xab: {  	_ =	task [dreg:s7], $0x5FFFF  }
0xac: {  	[dreg:$0x1] =	wrdreg $0xFFFFFFFF  }
0xad: {  	[dreg:$0x0] =	wrdreg $0x60  }
0xae: {  	[dreg:$0x2] =	wrdreg s2  }
0xaf: {  	[dreg:$0x3] =	wrdreg s24  }
0xb0: {  	[dreg:$0x4] =	wrdreg $0x83000  }
0xb1: {  	[dreg:$0x5] =	wrdreg $0x9  }
0xb2: {  	_ =	task.clear_ibuf [dreg:s7], $0x6FFFF;
	_ =	strace $0x90000049  }
0xb3: {  	s29 =	simm.s32 $0x9;
	_ =	strace $0x8000004B  }
0xb4: {  	_ =	swait.ge [sflag:s29], $0x1  }
0xb5: {  	[sflag:s29] =	ssyncadd.s32 $0xFFFFFFFF  }
0xb6: {  	_ =	strace $0x9000004B  }
0xb7: {  	_ =	sfence  }
0xb8: {  	s30 =	sld [smem:$0x0];
	_ =	sdelay $0x2  }
0xb9: {  	s31 =	sshll.u32 s1, $0xD;
	s1 =	sshrl.u32 s1, $0x2  }
0xba: {  	s3 =	sand.u32 $0x4000, s31;
	s1 =	sadd.s32 s1, s30  }
0xbb: {  	s0 =	sor.u32 s3, s0;
	s1 =	sshll.u32 s1, $0x11  }
0xbc: {  	s0 =	sor.u32 s1, s0  }
0xbd: {  	s0 =	sadd.s32 $0x8F2B, s0  }
0xbe: {  	[sflag:s0] =	ssyncadd.remote.s32 $0x1  }
0xbf: {  	_ =	sfence.sel $0xFFFF  }
0xc0: {  	[dreg:$0x0] =	wrdreg $0xFFFFFFFF;
	(pc) =	sbr.abs _section_cstart, $3  }
0xc1: {  	[dreg:$0x1] =	wrdreg $0xFFFFFFFF  }
0xc2: {  	_ =	task.clear_ibuf [dreg:s7], $0x2FFFF;
	_ =	strace $0x9FFFFFFF  }
0xc3: {  	(tm) =	ssettm $0x7FFFFFFF  }
tec
execute0_lowered:
.L_overlay_start_1:
0x0: {  	(tag) =	ssettag $0x1  }
0x1: {  	s1 =	rddreg [dreg:$0x0]  }
0x2: {  	s0 =	rddreg [dreg:$0x1]  }
0x3: {  	s2 =	rddreg [dreg:$0x2];
	s3 =	srdreg.scid;
	s4 =	simm.s32 $0x0  }
0x4: {  	s13 =	stileid.u32;
	s29 =	simm.s32 $0x1C300;
	s30 =	simm.s32 $0x10  }
0x5: {  	s31 =	simm.s32 $0x1;
	s3 =	sand.u32 $0x1, s3;
	s6 =	smul.u32 $0x14000, s13  }
0x6: {  	[smem:$0x7FF] =	sst s4;
	s8 =	sadd.s32 $0x2A00, s0;
	s9 =	smul.u32 $0x50000, s13  }
0x7: {  	s14 =	sshll.u32 s13, $0x1;
	s19 =	sshll.u32 s13, $0x6;
	s13 =	smul.u32 $0x4E20, s13  }
0x8: {  	s16 =	sadd.s32 $0xC800, s0;
	s7 =	sadd.s32 $0x16600, s0;
	s5 =	smul.u32 $0x140000, s3  }
0x9: {  	_ =	strace $0x8000004A;
	[dreg:$0x4] =	wrdreg s7;
	s15 =	ssub.s32 $0x2, s3  }
0xa: {  	s10 =	sshrl.u32 s15, $0x1;
	s18 =	sshrl.u32 s9, $0x2;
	s5 =	sadd.s32 s6, s5  }
0xb: {  	s6 =	sor.u32 s3, s14;
	s17 =	ssub.s32 s15, s10;
	s3 =	smul.u32 $0x2710, s3  }
0xc: {  	s18 =	sadd.s32 s18, s2;
	s5 =	sshrl.u32 s5, $0x3;
	s6 =	smul.u32 $0x2710, s6  }
0xd: {  	s18 =	sshrl.u32 s18, $0x3;
	s0 =	sadd.s32 s5, s0;
	s3 =	sadd.s32 s3, s13  }
0xe: {  	s11 =	sshrl.u32 s6, $0x3;
	s6 =	sor.u32 $0x1C08, s19;
	s15 =	sadd.s32 $0x180, s3  }
0xf: {  	s3 =	sadd.s32 $0x100, s3;
	s19 =	simm.s32 $0x8;
	s12 =	sadd.s32 $0x10, s11  }
0x10: {  	s20 =	sadd.s32 s8, s11;
	s22 =	sadd.s32 s16, s11;
	s14 =	sadd.s32 $0x4E0, s11  }
0x11: {  	s26 =	sshrl.u32 s15, $0x3;
	s3 =	sshrl.u32 s3, $0x3;
	s15 =	smax.u32 s17, $0x1  }
0x12: {  	s21 =	sadd.s32 s8, s12;
	[dreg:$0x5] =	wrdreg s20;
	s7 =	sadd.s32 $0x20, s20  }
0x13: {  	[dreg:$0x8] =	wrdreg s22;
	s23 =	sadd.s32 s16, s12;
	s24 =	sadd.s32 s8, s14  }
0x14: {  	s25 =	sadd.s32 s16, s14;
	s14 =	sadd.s32 $0x18E00, s0;
	[dreg:$0x6] =	wrdreg s21  }
0x15: {  	s28 =	sadd.s32 s26, s8;
	s17 =	sadd.s32 s3, s16;
	[dreg:$0x7] =	wrdreg s7  }
0x16: {  	s20 =	simm.s32 $0x80;
	s26 =	simm.s32 $0x6;
	[dreg:$0x9] =	wrdreg s23  }
0x17: {  	s0 =	simm.s32 $0x1C380;
	s3 =	simm.s32 $0x0;
	[dreg:$0xa] =	wrdreg s24  }
0x18: {  	[dreg:$0xb] =	wrdreg s25;
	s23 =	simm.s32 $0x5;
	s24 =	simm.s32 $0x300  }
.LBB2_1:
0x19: {  	s5 =	rddreg [dreg:$0x4]  }
0x1a: {  	[spmem:s18], [sflag:s6] =	dma.local [hbm:s5], $0x2800  }
0x1b: {  	_ =	swait.ge [sflag:s19], $0x2800  }
0x1c: {  	[sflag:s19] =	ssyncset.done $0x0  }
0x1d: {  	s9 =	rddreg [dreg:$0x5];
	[sflag:s19] =	ssyncadd.s32 $0xFFFFD800  }
0x1e: {  	[tilespmem:s4], [sflag:$0x5] =	stream.linear.gather [hbm4b:s9+s4], $0x80, $0x38;
	[tilespmem:$0x1C400] =	vst v63  }
0x1f: {  	s10 =	rddreg [dreg:$0x6]  }
0x20: {  	[tilespmem:s20], [sflag:$0x6] =	stream.linear.gather [hbm4b:s10+s4], $0x80, $0x38;
	[tilespmem:$0x1C400] =	vst v63  }
0x21: {  	s7 =	simm.s32 $0x100;
	s11 =	rddreg [dreg:$0x7]  }
0x22: {  	[tilespmem:s7], [sflag:$0x7] =	stream.linear.gather [hbm4b:s11+s4], $0x80, $0x38;
	[tilespmem:$0x1C400] =	vst v63  }
0x23: {  	s13 =	simm.s32 $0x200;
	s12 =	rddreg [dreg:$0x8]  }
0x24: {  	[tilespmem:s13], [sflag:$0x3] =	stream.linear.gather [hbm4b:s12+s4], $0x80, $0x38;
	[tilespmem:$0x1C400] =	vst v63  }
0x25: {  	_ =	swait.ge [sflag:s23], $0x80  }
0x26: {  	[sflag:s23] =	ssyncset.done $0x0  }
0x27: {  	[sflag:s23] =	ssyncadd.s32 $0xFFFFFF80  }
0x28: {  	[tilespmem:s24], [sflag:$0x1] =	stream.indirect.gather [hbm4b:s1+s20], $0x80, s4, s20, $0xb8;
	[tilespmem:$0x1C400] =	vst v63  }
0x29: {  	s21 =	simm.s32 $0x280;
	s16 =	rddreg [dreg:$0x9]  }
0x2a: {  	[tilespmem:s21], [sflag:$0x4] =	stream.linear.gather [hbm4b:s16+s4], $0x80, $0x38;
	[tilespmem:$0x1C400] =	vst v63  }
0x2b: {  	_ =	swait.ge [sflag:s26], $0x80  }
0x2c: {  	s22 =	simm.s32 $0x4300;
	s25 =	simm.s32 $0x0;
	[sflag:s26] =	ssyncset.done $0x0  }
0x2d: {  	p1 =	por $0x0, $0x0;
	s5 =	sand.u32 $0x1, s25;
	[sflag:s26] =	ssyncadd.s32 $0xFFFFFF80  }
0x2e: {  	[tilespmem:s22], [sflag:$0x2] =	stream.indirect.gather [hbm4b:s1+s20], $0x80, s20, s20, $0xb8;
	[tilespmem:$0x1C400] =	vst v63  }
0x2f: {  	s8 =	sadd.s32 $0x1, s5;
	s16 =	simm.s32 @!p1 $0x2;
	[bflag:$0x0] =	sbarrier.arrive $0xFFFF  }
0x30: {  	s16 =	smul.u32 @!p1 $0xAB, s16;
	_ =	swait.ge [sflag:s8], $0x4000  }
0x31: {  	[sflag:s8] =	ssyncset.done $0x0  }
0x32: {  	s21 =	sadd.s32 $0x3, s5;
	s16 =	sshrl.u32 @!p1 s16, $0x9;
	[sflag:s8] =	ssyncadd.s32 $0xFFFFC000  }
0x33: {  	s22 =	sshll.u32 s5, $0xE;
	s16 =	sand.u32 @!p1 $0x7F, s16;
	_ =	swait.ge [sflag:s21], $0x80  }
0x34: {  	s5 =	sshll.u32 s5, $0x7;
	s16 =	smul.u32 @!p1 $0x3, s16;
	[sflag:s21] =	ssyncset.done $0x0  }
0x35: {  	s22 =	sor.u32 $0x300, s22;
	s5 =	sor.u32 $0x200, s5;
	[sflag:s21] =	ssyncadd.s32 $0xFFFFFF80  }
0x36: {  	[spmem:s2] =	stream.indirect.scatter.add.f32 [tilespmem:s22], [sflag:$0x8], $0x80, s5, s20, $0xb8;
	[tilespmem:$0x1C400] =	vst v63  }
0x37: {  	s16 =	ssub.s32 @!p1 $0x2, s16;
	_ =	swait.ge [sflag:s19], $0x4000  }
0x38: {  	s16 =	sand.u32 @!p1 $0xFF, s16;
	[sflag:s19] =	ssyncset.done $0x0  }
0x39: {  	s25 =	sadd.s32 @!p1 $0x5, s16;
	[sflag:s19] =	ssyncadd.s32 $0xFFFFC000  }
0x3a: {  	p0 =	por @!p1 $0x0, $0x0;
	_ =	swait.ge @!p1 [sflag:s25], $0x80  }
0x3b: {  	p0 =	por p0, p1;
	s9 =	simm.s32 $0x3;
	[sflag:s25] =	ssyncset.done @!p1 $0x0  }
0x3c: {  	s9 =	smul.u32 @!p0 $0xAB, s9;
	[sflag:s25] =	ssyncadd.s32 @!p1 $0xFFFFFF80;
	s25 =	simm.s32 @!p1 $0x0  }
0x3d: {  	[tilespmem:s5], [sflag:s21] =	stream.linear.gather @!p1 [hbm4b:s17+s25], $0x80, $0x38;
	[tilespmem:$0x1C400] =	vst v63  }
0x3e: {  	s5 =	sshrl.u32 @!p0 s9, $0x9  }
0x3f: {  	s9 =	sshll.u32 @!p1 s16, $0x7;
	s5 =	sand.u32 @!p0 $0x7F, s5  }
0x40: {  	s16 =	simm.s32 @!p1 $0x80;
	s21 =	simm.s32 $0x4;
	s5 =	smul.u32 @!p0 $0x3, s5  }
0x41: {  	[tilespmem:s22], [sflag:s8] =	stream.indirect.gather @!p1 [hbm4b:s1+s16], $0x80, s9, s16, $0xb8;
	[tilespmem:$0x1C400] =	vst v63  }
0x42: {  	s25 =	sadd.s32 $0x10, s28;
	s22 =	sadd.s32 $0x10, s17;
	s5 =	ssub.s32 @!p0 $0x3, s5  }
0x43: {  	s16 =	smov.u32 s28;
	s8 =	sand.u32 @!p0 $0xFF, s5;
	s5 =	simm.s32 @!p0 $0x0  }
.LBB2_2:
0x44: {  	s9 =	sadd.s32 $0xFFFFFFFD, s21  }
0x45: {  	s10 =	sshll.u32 @!p0 s8, $0x7;
	s8 =	sadd.s32 @!p0 $0x5, s8;
	s11 =	smov.u32 s21  }
0x46: {  	[tilespmem:s10], [sflag:s8] =	stream.linear.gather @!p0 [hbm4b:s16+s5], $0x80, $0x38;
	[tilespmem:$0x1C400] =	vst v63  }
0x47: {  	p1 =	sgt.u32 s9, $0x4B  }
0x48: {  	s21 =	sadd.s32 $0x1, s21;
	s5 =	sand.u32 $0x1, s9;
	s10 =	sadd.s32 @!p1 $0xFFFFFFFF, s11  }
0x49: {  	s8 =	sshll.u32 s5, $0xE;
	s9 =	sadd.s32 $0x1, s5;
	s16 =	smul.u32 @!p1 $0xAB, s10  }
0x4a: {  	p2 =	sne.s32 s21, $0x51;
	s7 =	sshll.u32 s5, $0x7;
	_ =	swait.ge [sflag:s9], $0x4000  }
0x4b: {  	p0 =	seq.s32 @!p1 s11, $0x4E;
	[sflag:s9] =	ssyncset.done $0x0;
	s16 =	sshrl.u32 @!p1 s16, $0x9  }
0x4c: {  	s5 =	sadd.s32 $0x3, s5;
	[sflag:s9] =	ssyncadd.s32 $0xFFFFC000;
	s16 =	sand.u32 @!p1 $0x7F, s16  }
0x4d: {  	p0 =	por p0, p1;
	_ =	swait.ge [sflag:s5], $0x80;
	s12 =	smul.u32 @!p1 $0x3, s16  }
0x4e: {  	s8 =	sor.u32 $0x300, s8;
	s16 =	smov.u32 s25;
	[sflag:s5] =	ssyncset.done $0x0  }
0x4f: {  	s7 =	sor.u32 $0x200, s7;
	[sflag:s5] =	ssyncadd.s32 $0xFFFFFF80;
	s10 =	ssub.s32 @!p1 s10, s12  }
0x50: {  	[spmem:s2] =	stream.indirect.scatter.add.f32 [tilespmem:s8], [sflag:$0x8], $0x80, s7, s20, $0xb8;
	[tilespmem:$0x1C400] =	vst v63  }
0x51: {  	s12 =	smul.u32 @!p0 $0xAB, s11;
	s10 =	sand.u32 @!p1 $0xFF, s10;
	_ =	swait.ge [sflag:s19], $0x4000  }
0x52: {  	s13 =	sadd.s32 @!p1 $0x5, s10;
	[sflag:s19] =	ssyncset.done $0x0  }
0x53: {  	s10 =	sshll.u32 @!p1 s10, $0x7;
	s12 =	sshrl.u32 @!p0 s12, $0x9;
	[sflag:s19] =	ssyncadd.s32 $0xFFFFC000  }
0x54: {  	s12 =	sand.u32 @!p0 $0x7F, s12;
	_ =	swait.ge @!p1 [sflag:s13], $0x80  }
0x55: {  	s12 =	smul.u32 @!p0 $0x3, s12;
	[sflag:s13] =	ssyncset.done @!p1 $0x0  }
.Ltmp0:
0x56: {  	[sflag:s13] =	ssyncadd.s32 @!p1 $0xFFFFFF80;
	s13 =	simm.s32 @!p1 $0x0;
	(pc) =	sbr.rel @p2 .LBB2_2-.Ltmp0, $4  }
0x57: {  	[tilespmem:s7], [sflag:s5] =	stream.linear.gather @!p1 [hbm4b:s22+s13], $0x80, $0x38;
	[tilespmem:$0x1C400] =	vst v63  }
0x58: {  	s5 =	simm.s32 @!p1 $0x80;
	s7 =	ssub.s32 @!p0 s11, s12;
	s22 =	sadd.s32 $0x10, s22  }
0x59: {  	[tilespmem:s8], [sflag:s9] =	stream.indirect.gather @!p1 [hbm4b:s1+s5], $0x80, s10, s5, $0xb8;
	[tilespmem:$0x1C400] =	vst v63  }
0x5a: {  	s25 =	sadd.s32 $0x10, s25;
	s8 =	sand.u32 @!p0 $0xFF, s7;
	s5 =	simm.s32 @!p0 $0x0  }
0x5b: {  	s7 =	sshll.u32 @!p0 s8, $0x7;
	s8 =	sadd.s32 @!p0 $0x5, s8  }
0x5c: {  	[tilespmem:s7], [sflag:s8] =	stream.linear.gather @!p0 [hbm4b:s16+s5], $0x80, $0x38;
	[tilespmem:$0x1C400] =	vst v63  }
0x5d: {  	s22 =	rddreg [dreg:$0xa]  }
0x5e: {  	[tilespmem:s29], [sflag:$0x8] =	stream.linear.gather [hbm4b:s22+s4], $0x10, $0x38;
	[tilespmem:$0x1C400] =	vst v63  }
0x5f: {  	_ =	swait.ge [sflag:s19], $0x10  }
0x60: {  	[sflag:s19] =	ssyncset.done $0x0  }
0x61: {  	[sflag:s19] =	ssyncadd.s32 $0xFFFFFFF0  }
0x62: {  	[tilespmem:s24], [sflag:$0x1] =	stream.indirect.gather [hbm4b:s1+s30], $0x80, s29, s30, $0xb8;
	[tilespmem:$0x1C400] =	vst v63  }
0x63: {  	_ =	swait.ge [sflag:s31], $0x800  }
0x64: {  	[sflag:s31] =	ssyncset.done $0x0  }
0x65: {  	s25 =	rddreg [dreg:$0xb];
	[sflag:s31] =	ssyncadd.s32 $0xFFFFF800  }
0x66: {  	[tilespmem:s0], [sflag:$0x8] =	stream.linear.gather [hbm4b:s25+s4], $0x10, $0x38;
	[tilespmem:$0x1C400] =	vst v63  }
0x67: {  	_ =	swait.ge [sflag:s19], $0x10  }
0x68: {  	[sflag:s19] =	ssyncset.done $0x0  }
0x69: {  	[sflag:s19] =	ssyncadd.s32 $0xFFFFFFF0  }
0x6a: {  	[spmem:s2] =	stream.indirect.scatter.add.f32 [tilespmem:s24], [sflag:$0x8], $0x80, s0, s30, $0xb8;
	[tilespmem:$0x1C400] =	vst v63  }
0x6b: {  	_ =	swait.ge [sflag:s19], $0x800  }
0x6c: {  	s3 =	sadd.s32 $0x1, s3;
	[sflag:s19] =	ssyncset.done $0x0  }
0x6d: {  	p0 =	sne.s32 s3, s15;
	[sflag:s19] =	ssyncadd.s32 $0xFFFFF800  }
.Ltmp1:
0x6e: {  	[bflag:$0x0] =	sbarrier.arrive $0xFFFF;
	(pc) =	sbr.rel @p0 .LBB2_1-.Ltmp1, $4  }
0x6f: {  	[hbm:s14], [sflag:s6] =	dma.local [spmem:s18], $0x2800  }
0x70: {  	_ =	swait.ge [sflag:s19], $0x2800  }
0x71: {  	[sflag:s19] =	ssyncset.done $0x0  }
0x72: {  	[sflag:s19] =	ssyncadd.s32 $0xFFFFD800  }
0x73: {  	_ =	sfence.sel $0x180000  }
0x74: {  	[bflag:$0x0] =	sbarrier.arrive $0xFFFF  }
0x75: {  	_ =	strace $0x9000004A  }
0x76: {  	s0 =	stileid.u32;
	[bflag:$0x2] =	sbarrier.arrive $0xFFFF  }
0x77: {  	p0 =	sne.s32 s0, $0x0;
	s0 =	rddreg [dreg:$0x3]  }
0x78: {  	s0 =	sadd.s32 @!p0 $0x100000, s0  }
0x79: {  	[sflag:s0] =	ssyncadd.tile.s32 @!p0 $0x1;
	_ =	shalt  }
.Lfunc_end2:
_tile_overlayer_lowered:
.L_overlay_start_2:
0x7a: {  	(tag) =	ssettag $0x2  }
0x7b: {  	s0 =	rddreg [dreg:$0x0];
	s2 =	stileid.u32  }
0x7c: {  	s1 =	rddreg [dreg:$0x1];
	p0 =	sne.s32 s2, $0x0  }
0x7d: {  	s3 =	rddreg [dreg:$0x2];
	[bflag:$0x3] =	sbarrier.arrive $0xFFFF;
	s2 =	simm.s32 @!p0 $0x1C08  }
0x7e: {  	[timem:s3], [sflag:s2] =	dma.local @!p0 [hbm:s0], s1  }
0x7f: {  	s0 =	simm.s32 @!p0 $0x8  }
0x80: {  	_ =	swait.ge @!p0 [sflag:s0], s1  }
0x81: {  	s1 =	ssub.s32 @!p0 $0x0, s1;
	[sflag:s0] =	ssyncset.done @!p0 $0x0  }
0x82: {  	[sflag:s0] =	ssyncadd.s32 @!p0 s1  }
0x83: {  	[bflag:$0x3] =	sbarrier.arrive $0xFFFF  }
0x84: {  	_ =	shalt  }

// kernel: kernel.14.cloned.1.call-start
scs
__scs_entry_jumppad:
0x0: {  	(pc) =	sbr.rel $0x88, $3  }
0x1: {  	(tag) =	ssettag $0x0;
	lr =	simm.s32 $0x1  }
0x2: {  	[smem:$0x3F99] =	sst lr;
	_ =	strace $0xD0000000  }
0x3: {  	_ = 	snop  }
0x4: {  	_ = 	snop  }
0x5: {  	_ = 	snop  }
0x6: {  	_ = 	snop  }
0x7: {  	_ = 	snop  }
__scs_overlays_trampoline_lowered:
0x8: {  	[smem:$0x3FA8] =	sst s0  }
0x9: {  	[smem:$0x3FA9] =	sst s1  }
0xa: {  	[smem:$0x3FAA] =	sst s2  }
0xb: {  	[smem:$0x3FAB] =	sst s3  }
0xc: {  	[smem:$0x3FAC] =	sst s4  }
0xd: {  	[smem:$0x3FAD] =	sst s5  }
0xe: {  	[smem:$0x3FAE] =	sst s6  }
0xf: {  	[smem:$0x3FAF] =	sst s7  }
0x10: {  	[smem:$0x3FB0] =	sst s8  }
0x11: {  	[smem:$0x3FB1] =	sst s9;
	s0 =	simm.s32 @!p0 $0x0  }
0x12: {  	s1 =	sld [smem:$0x3F97];
	s0 =	simm.s32 @p0 $0x1  }
0x13: {  	[smem:$0x3FB2] =	sst s0;
	s0 =	simm.s32 @!p1 $0x0  }
0x14: {  	s2 =	sld [smem:$0x3F96];
	s0 =	simm.s32 @p1 $0x1  }
0x15: {  	[smem:$0x3FB3] =	sst s0;
	s0 =	simm.s32 @!p2 $0x0  }
0x16: {  	s3 =	sld [smem:$0x3FDB];
	s0 =	simm.s32 @p2 $0x1  }
0x17: {  	s4 =	simm.s32 $0x1BF5;
	[smem:$0x3FB5] =	sst s0  }
0x18: {  	s0 =	sld [smem:$0x3F98];
	_ =	swait.ge [sflag:s4], $0x0  }
0x19: {  	s7 =	sld [smem:$0x3F99]  }
0x1a: {  	s8 =	sadd.s32 $0xFFFFE003, lr  }
0x1b: {  	s9 =	sadd.s32 $0xFFFFFEF7, lr;
	s5 =	simm.s32 $0xFFFFFFFF;
	p2 =	slt.u32 s8, $0xFFFFF086  }
0x1c: {  	p1 =	slt.u32 s9, $0xF7A;
	s5 =	simm.s32 @!p2 $0x0  }
0x1d: {  	s5 =	simm.s32 @p1 $0x1;
	p0 =	seq.s32 s7, s2  }
0x1e: {  	s7 =	smul.u32 @!p0 $0xF7A, s2;
	p2 =	seq.s32 @!p0 s5, $0x0  }
0x1f: {  	s9 =	smul.u32 $0xF7A, s1;
	s8 =	simm.s32 @!p0 $0x1BF5;
	p2 =	por !p2, p0  }
0x20: {  	[sflag:s8] =	ssyncset.s32 @!p0 $0xFFFFF086;
	s6 =	sadd.s32 @!p0 s3, s7;
	s7 =	simm.s32 @!p0 $0x108  }
0x21: {  	s3 =	sadd.s32 s3, s9;
	s6 =	sadd.s32 @!p0 $0x88, s6;
	s7 =	simm.s32 @p2 $0x1082  }
0x22: {  	[simem:s7], [sflag:s8] =	dma.local @!p0 [hbm:s6], $0xF7A  }
0x23: {  	s9 =	sor.u32 $0xD0000000, s2;
	s6 =	simm.s32 $0x108;
	_ =	swait.ge @!p0 [sflag:s8], $0x0  }
0x24: {  	s3 =	sadd.s32 $0x88, s3;
	s6 =	simm.s32 @!p1 $0x1082;
	[sflag:s4] =	ssyncset.s32 $0xFFFFF086  }
0x25: {  	[simem:s6], [sflag:s4] =	dma.local [hbm:s3], $0xF7A  }
0x26: {  	[smem:$0x3F99] =	sst s1;
	(tag) =	ssettag s2;
	_ =	strace s9  }
0x27: {  	s1 =	sld [smem:$0x3FA9]  }
0x28: {  	s2 =	sld [smem:$0x3FAA]  }
0x29: {  	s4 =	sld [smem:$0x3FAC]  }
0x2a: {  	p0 =	seq.s32 s5, $0x0;
	s5 =	sld [smem:$0x3FAD]  }
0x2b: {  	s6 =	sld [smem:$0x3FAE]  }
0x2c: {  	s7 =	sld [smem:$0x3FAF]  }
0x2d: {  	s3 =	simm.s32 $0x108;
	s8 =	sld [smem:$0x3FB0]  }
0x2e: {  	s3 =	simm.s32 @!p0 $0x1082;
	s9 =	sld [smem:$0x3FB1]  }
0x2f: {  	lr =	sadd.s32 s0, s3;
	s0 =	sld [smem:$0x3FA8]  }
0x30: {  	s3 =	sld [smem:$0x3FAB]  }
0x31: {  	[smem:$0x3FB4] =	sst s10  }
0x32: {  	s10 =	sld [smem:$0x3FB2];
	_ =	sdelay $0x3  }
0x33: {  	p0 =	seq.s32 s10, $0x1;
	s10 =	sld [smem:$0x3FB4];
	_ =	sdelay $0x3  }
0x34: {  	[smem:$0x3FB4] =	sst s10  }
0x35: {  	s10 =	sld [smem:$0x3FB3];
	_ =	sdelay $0x3  }
0x36: {  	p1 =	seq.s32 s10, $0x1;
	s10 =	sld [smem:$0x3FB4];
	_ =	sdelay $0x3  }
0x37: {  	[smem:$0x3FB4] =	sst s10  }
0x38: {  	s10 =	sld [smem:$0x3FB5]  }
0x39: {  	_ = 	snop;
	(pc) =	sbr.ind lr, $3  }
0x3a: {  	_ = 	snop  }
0x3b: {  	_ = 	snop  }
0x3c: {  	p2 =	seq.s32 s10, $0x1;
	s10 =	sld [smem:$0x3FB4]  }
0x3d: {  	_ =	shalt  }
0x3e: {  	_ =	shalt  }
0x3f: {  	_ =	shalt  }
0x40: {  	_ =	shalt  }
0x41: {  	_ =	shalt  }
0x42: {  	_ =	shalt  }
0x43: {  	_ =	shalt  }
0x44: {  	_ =	shalt  }
0x45: {  	_ =	shalt  }
0x46: {  	_ =	shalt  }
0x47: {  	_ =	shalt  }
0x48: {  	_ =	shalt  }
0x49: {  	_ =	shalt  }
0x4a: {  	_ =	shalt  }
0x4b: {  	_ =	shalt  }
0x4c: {  	_ =	shalt  }
0x4d: {  	_ =	shalt  }
0x4e: {  	_ =	shalt  }
0x4f: {  	_ =	shalt  }
0x50: {  	_ =	shalt  }
0x51: {  	_ =	shalt  }
0x52: {  	_ =	shalt  }
0x53: {  	_ =	shalt  }
0x54: {  	_ =	shalt  }
0x55: {  	_ =	shalt  }
0x56: {  	_ =	shalt  }
0x57: {  	_ =	shalt  }
0x58: {  	_ =	shalt  }
0x59: {  	_ =	shalt  }
0x5a: {  	_ =	shalt  }
0x5b: {  	_ =	shalt  }
0x5c: {  	_ =	shalt  }
0x5d: {  	_ =	shalt  }
0x5e: {  	_ =	shalt  }
0x5f: {  	_ =	shalt  }
0x60: {  	_ =	shalt  }
0x61: {  	_ =	shalt  }
0x62: {  	_ =	shalt  }
0x63: {  	_ =	shalt  }
0x64: {  	_ =	shalt  }
0x65: {  	_ =	shalt  }
0x66: {  	_ =	shalt  }
0x67: {  	_ =	shalt  }
0x68: {  	_ =	shalt  }
0x69: {  	_ =	shalt  }
0x6a: {  	_ =	shalt  }
0x6b: {  	_ =	shalt  }
0x6c: {  	_ =	shalt  }
0x6d: {  	_ =	shalt  }
0x6e: {  	_ =	shalt  }
0x6f: {  	_ =	shalt  }
0x70: {  	_ =	shalt  }
0x71: {  	_ =	shalt  }
0x72: {  	_ =	shalt  }
0x73: {  	_ =	shalt  }
0x74: {  	_ =	shalt  }
0x75: {  	_ =	shalt  }
0x76: {  	_ =	shalt  }
0x77: {  	_ =	shalt  }
0x78: {  	_ =	shalt  }
0x79: {  	_ =	shalt  }
0x7a: {  	_ =	shalt  }
0x7b: {  	_ =	shalt  }
0x7c: {  	_ =	shalt  }
0x7d: {  	_ =	shalt  }
0x7e: {  	_ =	shalt  }
0x7f: {  	_ =	shalt  }
0x80: {  	_ =	shalt  }
0x81: {  	_ =	shalt  }
0x82: {  	_ =	shalt  }
0x83: {  	_ =	shalt  }
0x84: {  	_ =	shalt  }
0x85: {  	_ =	shalt  }
0x86: {  	_ =	shalt  }
0x87: {  	_ =	shalt  }
.Lfunc_end0:
.L_simem_size_0:
called_computation.2_lowered:
.L_overlay_start_0:
0x88: {  	s2 =	sld [smem:$0x3FD9]  }
0x89: {  	s3 =	sld [smem:$0x3FFE];
	_ =	sdelay $0x1  }
0x8a: {  	s1 =	srdreg.scid  }
0x8b: {  	s0 =	sand.u32 $0x1, s1  }
0x8c: {  	s17 =	sshll.u32 s0, $0xA;
	s2 =	sadd.s32 s3, s2  }
0x8d: {  	s2 =	sadd.s32 s2, s17  }
0x8e: {  	[smem:$0x3FC0] =	sst s2  }
0x8f: {  	_ = 	snop  }
0x90: {  	s2 =	sld [smem:$0x3FD0];
	(tm) =	ssettm $0x1  }
0x91: {  	s18 =	sld [smem:$0x3FFB];
	_ =	sdelay $0x3  }
0x92: {  	_ =	strace s18  }
0x93: {  	s3 =	sld [smem:$0x3FFC];
	_ =	sdelay $0x3  }
0x94: {  	_ =	strace s3  }
0x95: {  	s3 =	sld [smem:$0x3FFD];
	_ =	sdelay $0x3  }
0x96: {  	_ =	strace s3  }
0x97: {  	_ =	strace $0x8FFFFFFF  }
0x98: {  	s19 =	sld [smem:$0x3FDB];
	_ =	sdelay $0x1  }
0x99: {  	s4 =	simm.s32 $_scs_section_size  }
0x9a: {  	s5 =	simm.s32 $_size__tile_overlayer_lowered;
	s6 =	simm.s32 $_tile_overlayer_lowered  }
0x9b: {  	s22 =	simm.s32 $0x1BFF;
	s21 =	sshll.u32 s6, $0x1;
	s3 =	sadd.s32 s4, s19  }
0x9c: {  	s7 =	simm.s32 $0x0;
	s20 =	sshll.u32 s5, $0x1;
	s5 =	sadd.s32 s21, s3  }
0x9d: {  	[timem:s7], [sflag:s22] =	dma.local [hbm:s5], s20  }
0x9e: {  	_ =	swait.ge [sflag:s22], s20  }
0x9f: {  	s4 =	ssub.s32 $0x0, s20;
	[sflag:s22] =	ssyncset.done $0x0  }
0xa0: {  	[sflag:s22] =	ssyncadd.s32 s4;
	_ =	sdelay $0x1  }
0xa1: {  	s23 =	simm.s32 $0x1B8B  }
0xa2: {  	_ =	swait.ge [sflag:s23], $0x1  }
0xa3: {  	[sflag:s23] =	ssyncset.done $0x0  }
0xa4: {  	s25 =	simm.s32 $0x1B8E;
	s24 =	sld [smem:$0x3FFE];
	[sflag:s23] =	ssyncadd.s32 $0xFFFFFFFF  }
0xa5: {  	s26 =	simm.s32 $execute0_lowered;
	[smem:$0x3FD2] =	sst s25  }
0xa6: {  	s5 =	sshll.u32 s26, $0x1;
	_ =	strace $0x8000004C;
	[dreg:$0x1] =	wrdreg $0xFFFFFFFF  }
0xa7: {  	s28 =	simm.s32 $_size_execute0_lowered;
	s3 =	sadd.s32 s3, s5;
	[dreg:$0x0] =	wrdreg $0x0  }
0xa8: {  	s5 =	sshll.u32 s28, $0x1;
	[dreg:$0x2] =	wrdreg s3  }
0xa9: {  	[dreg:$0x3] =	wrdreg s5  }
0xaa: {  	[dreg:$0x4] =	wrdreg $0xC0  }
0xab: {  	_ =	task [dreg:s7], $0x5FFFF  }
0xac: {  	[dreg:$0x1] =	wrdreg $0xFFFFFFFF  }
0xad: {  	[dreg:$0x0] =	wrdreg $0x60  }
0xae: {  	[dreg:$0x2] =	wrdreg s2  }
0xaf: {  	[dreg:$0x3] =	wrdreg s24  }
0xb0: {  	[dreg:$0x4] =	wrdreg $0x83000  }
0xb1: {  	[dreg:$0x5] =	wrdreg $0x9  }
0xb2: {  	_ =	task.clear_ibuf [dreg:s7], $0x6FFFF;
	_ =	strace $0x9000004C  }
0xb3: {  	s29 =	simm.s32 $0x9;
	_ =	strace $0x8000004E  }
0xb4: {  	_ =	swait.ge [sflag:s29], $0x1  }
0xb5: {  	[sflag:s29] =	ssyncadd.s32 $0xFFFFFFFF  }
0xb6: {  	_ =	strace $0x9000004E  }
0xb7: {  	_ =	sfence  }
0xb8: {  	s30 =	sld [smem:$0x0];
	_ =	sdelay $0x2  }
0xb9: {  	s31 =	sshll.u32 s1, $0xD;
	s1 =	sshrl.u32 s1, $0x2  }
0xba: {  	s3 =	sand.u32 $0x4000, s31;
	s1 =	sadd.s32 s1, s30  }
0xbb: {  	s0 =	sor.u32 s3, s0;
	s1 =	sshll.u32 s1, $0x11  }
0xbc: {  	s0 =	sor.u32 s1, s0  }
0xbd: {  	s0 =	sadd.s32 $0x8F2B, s0  }
0xbe: {  	[sflag:s0] =	ssyncadd.remote.s32 $0x1  }
0xbf: {  	_ =	sfence.sel $0xFFFF  }
0xc0: {  	[dreg:$0x0] =	wrdreg $0xFFFFFFFF;
	(pc) =	sbr.abs _section_cstart, $3  }
0xc1: {  	[dreg:$0x1] =	wrdreg $0xFFFFFFFF  }
0xc2: {  	_ =	task.clear_ibuf [dreg:s7], $0x2FFFF;
	_ =	strace $0x9FFFFFFF  }
0xc3: {  	(tm) =	ssettm $0x7FFFFFFF  }
tec
execute0_lowered:
.L_overlay_start_1:
0x0: {  	(tag) =	ssettag $0x1  }
0x1: {  	s1 =	rddreg [dreg:$0x0]  }
0x2: {  	s0 =	rddreg [dreg:$0x1]  }
0x3: {  	s2 =	rddreg [dreg:$0x2];
	s3 =	srdreg.scid;
	s4 =	simm.s32 $0x0  }
0x4: {  	s13 =	stileid.u32;
	s29 =	simm.s32 $0x1C300;
	s30 =	simm.s32 $0x10  }
0x5: {  	s31 =	simm.s32 $0x1;
	s3 =	sand.u32 $0x1, s3;
	s6 =	smul.u32 $0x14000, s13  }
0x6: {  	[smem:$0x7FF] =	sst s4;
	s8 =	sadd.s32 $0x2A00, s0;
	s9 =	smul.u32 $0x50000, s13  }
0x7: {  	s14 =	sshll.u32 s13, $0x1;
	s19 =	sshll.u32 s13, $0x6;
	s13 =	smul.u32 $0x4E20, s13  }
0x8: {  	s16 =	sadd.s32 $0xC800, s0;
	s7 =	sadd.s32 $0x16600, s0;
	s5 =	smul.u32 $0x140000, s3  }
0x9: {  	_ =	strace $0x8000004D;
	[dreg:$0x4] =	wrdreg s7;
	s15 =	ssub.s32 $0x2, s3  }
0xa: {  	s10 =	sshrl.u32 s15, $0x1;
	s18 =	sshrl.u32 s9, $0x2;
	s5 =	sadd.s32 s6, s5  }
0xb: {  	s6 =	sor.u32 s3, s14;
	s17 =	ssub.s32 s15, s10;
	s3 =	smul.u32 $0x2710, s3  }
0xc: {  	s18 =	sadd.s32 s18, s2;
	s5 =	sshrl.u32 s5, $0x3;
	s6 =	smul.u32 $0x2710, s6  }
0xd: {  	s18 =	sshrl.u32 s18, $0x3;
	s0 =	sadd.s32 s5, s0;
	s3 =	sadd.s32 s3, s13  }
0xe: {  	s11 =	sshrl.u32 s6, $0x3;
	s6 =	sor.u32 $0x1C08, s19;
	s15 =	sadd.s32 $0x180, s3  }
0xf: {  	s3 =	sadd.s32 $0x100, s3;
	s19 =	simm.s32 $0x8;
	s12 =	sadd.s32 $0x10, s11  }
0x10: {  	s20 =	sadd.s32 s8, s11;
	s22 =	sadd.s32 s16, s11;
	s14 =	sadd.s32 $0x4E0, s11  }
0x11: {  	s26 =	sshrl.u32 s15, $0x3;
	s3 =	sshrl.u32 s3, $0x3;
	s15 =	smax.u32 s17, $0x1  }
0x12: {  	s21 =	sadd.s32 s8, s12;
	[dreg:$0x5] =	wrdreg s20;
	s7 =	sadd.s32 $0x20, s20  }
0x13: {  	[dreg:$0x8] =	wrdreg s22;
	s23 =	sadd.s32 s16, s12;
	s24 =	sadd.s32 s8, s14  }
0x14: {  	s25 =	sadd.s32 s16, s14;
	s14 =	sadd.s32 $0x18E00, s0;
	[dreg:$0x6] =	wrdreg s21  }
0x15: {  	s28 =	sadd.s32 s26, s8;
	s17 =	sadd.s32 s3, s16;
	[dreg:$0x7] =	wrdreg s7  }
0x16: {  	s20 =	simm.s32 $0x80;
	s26 =	simm.s32 $0x6;
	[dreg:$0x9] =	wrdreg s23  }
0x17: {  	s0 =	simm.s32 $0x1C380;
	s3 =	simm.s32 $0x0;
	[dreg:$0xa] =	wrdreg s24  }
0x18: {  	[dreg:$0xb] =	wrdreg s25;
	s23 =	simm.s32 $0x5;
	s24 =	simm.s32 $0x300  }
.LBB2_1:
0x19: {  	s5 =	rddreg [dreg:$0x4]  }
0x1a: {  	[spmem:s18], [sflag:s6] =	dma.local [hbm:s5], $0x2800  }
0x1b: {  	_ =	swait.ge [sflag:s19], $0x2800  }
0x1c: {  	[sflag:s19] =	ssyncset.done $0x0  }
0x1d: {  	s9 =	rddreg [dreg:$0x5];
	[sflag:s19] =	ssyncadd.s32 $0xFFFFD800  }
0x1e: {  	[tilespmem:s4], [sflag:$0x5] =	stream.linear.gather [hbm4b:s9+s4], $0x80, $0x38;
	[tilespmem:$0x1C400] =	vst v63  }
0x1f: {  	s10 =	rddreg [dreg:$0x6]  }
0x20: {  	[tilespmem:s20], [sflag:$0x6] =	stream.linear.gather [hbm4b:s10+s4], $0x80, $0x38;
	[tilespmem:$0x1C400] =	vst v63  }
0x21: {  	s7 =	simm.s32 $0x100;
	s11 =	rddreg [dreg:$0x7]  }
0x22: {  	[tilespmem:s7], [sflag:$0x7] =	stream.linear.gather [hbm4b:s11+s4], $0x80, $0x38;
	[tilespmem:$0x1C400] =	vst v63  }
0x23: {  	s13 =	simm.s32 $0x200;
	s12 =	rddreg [dreg:$0x8]  }
0x24: {  	[tilespmem:s13], [sflag:$0x3] =	stream.linear.gather [hbm4b:s12+s4], $0x80, $0x38;
	[tilespmem:$0x1C400] =	vst v63  }
0x25: {  	_ =	swait.ge [sflag:s23], $0x80  }
0x26: {  	[sflag:s23] =	ssyncset.done $0x0  }
0x27: {  	[sflag:s23] =	ssyncadd.s32 $0xFFFFFF80  }
0x28: {  	[tilespmem:s24], [sflag:$0x1] =	stream.indirect.gather [hbm4b:s1+s20], $0x80, s4, s20, $0xb8;
	[tilespmem:$0x1C400] =	vst v63  }
0x29: {  	s21 =	simm.s32 $0x280;
	s16 =	rddreg [dreg:$0x9]  }
0x2a: {  	[tilespmem:s21], [sflag:$0x4] =	stream.linear.gather [hbm4b:s16+s4], $0x80, $0x38;
	[tilespmem:$0x1C400] =	vst v63  }
0x2b: {  	_ =	swait.ge [sflag:s26], $0x80  }
0x2c: {  	s22 =	simm.s32 $0x4300;
	s25 =	simm.s32 $0x0;
	[sflag:s26] =	ssyncset.done $0x0  }
0x2d: {  	p1 =	por $0x0, $0x0;
	s5 =	sand.u32 $0x1, s25;
	[sflag:s26] =	ssyncadd.s32 $0xFFFFFF80  }
0x2e: {  	[tilespmem:s22], [sflag:$0x2] =	stream.indirect.gather [hbm4b:s1+s20], $0x80, s20, s20, $0xb8;
	[tilespmem:$0x1C400] =	vst v63  }
0x2f: {  	s8 =	sadd.s32 $0x1, s5;
	s16 =	simm.s32 @!p1 $0x2;
	[bflag:$0x0] =	sbarrier.arrive $0xFFFF  }
0x30: {  	s16 =	smul.u32 @!p1 $0xAB, s16;
	_ =	swait.ge [sflag:s8], $0x4000  }
0x31: {  	[sflag:s8] =	ssyncset.done $0x0  }
0x32: {  	s21 =	sadd.s32 $0x3, s5;
	s16 =	sshrl.u32 @!p1 s16, $0x9;
	[sflag:s8] =	ssyncadd.s32 $0xFFFFC000  }
0x33: {  	s22 =	sshll.u32 s5, $0xE;
	s16 =	sand.u32 @!p1 $0x7F, s16;
	_ =	swait.ge [sflag:s21], $0x80  }
0x34: {  	s5 =	sshll.u32 s5, $0x7;
	s16 =	smul.u32 @!p1 $0x3, s16;
	[sflag:s21] =	ssyncset.done $0x0  }
0x35: {  	s22 =	sor.u32 $0x300, s22;
	s5 =	sor.u32 $0x200, s5;
	[sflag:s21] =	ssyncadd.s32 $0xFFFFFF80  }
0x36: {  	[spmem:s2] =	stream.indirect.scatter.add.f32 [tilespmem:s22], [sflag:$0x8], $0x80, s5, s20, $0xb8;
	[tilespmem:$0x1C400] =	vst v63  }
0x37: {  	s16 =	ssub.s32 @!p1 $0x2, s16;
	_ =	swait.ge [sflag:s19], $0x4000  }
0x38: {  	s16 =	sand.u32 @!p1 $0xFF, s16;
	[sflag:s19] =	ssyncset.done $0x0  }
0x39: {  	s25 =	sadd.s32 @!p1 $0x5, s16;
	[sflag:s19] =	ssyncadd.s32 $0xFFFFC000  }
0x3a: {  	p0 =	por @!p1 $0x0, $0x0;
	_ =	swait.ge @!p1 [sflag:s25], $0x80  }
0x3b: {  	p0 =	por p0, p1;
	s9 =	simm.s32 $0x3;
	[sflag:s25] =	ssyncset.done @!p1 $0x0  }
0x3c: {  	s9 =	smul.u32 @!p0 $0xAB, s9;
	[sflag:s25] =	ssyncadd.s32 @!p1 $0xFFFFFF80;
	s25 =	simm.s32 @!p1 $0x0  }
0x3d: {  	[tilespmem:s5], [sflag:s21] =	stream.linear.gather @!p1 [hbm4b:s17+s25], $0x80, $0x38;
	[tilespmem:$0x1C400] =	vst v63  }
0x3e: {  	s5 =	sshrl.u32 @!p0 s9, $0x9  }
0x3f: {  	s9 =	sshll.u32 @!p1 s16, $0x7;
	s5 =	sand.u32 @!p0 $0x7F, s5  }
0x40: {  	s16 =	simm.s32 @!p1 $0x80;
	s21 =	simm.s32 $0x4;
	s5 =	smul.u32 @!p0 $0x3, s5  }
0x41: {  	[tilespmem:s22], [sflag:s8] =	stream.indirect.gather @!p1 [hbm4b:s1+s16], $0x80, s9, s16, $0xb8;
	[tilespmem:$0x1C400] =	vst v63  }
0x42: {  	s25 =	sadd.s32 $0x10, s28;
	s22 =	sadd.s32 $0x10, s17;
	s5 =	ssub.s32 @!p0 $0x3, s5  }
0x43: {  	s16 =	smov.u32 s28;
	s8 =	sand.u32 @!p0 $0xFF, s5;
	s5 =	simm.s32 @!p0 $0x0  }
.LBB2_2:
0x44: {  	s9 =	sadd.s32 $0xFFFFFFFD, s21  }
0x45: {  	s10 =	sshll.u32 @!p0 s8, $0x7;
	s8 =	sadd.s32 @!p0 $0x5, s8;
	s11 =	smov.u32 s21  }
0x46: {  	[tilespmem:s10], [sflag:s8] =	stream.linear.gather @!p0 [hbm4b:s16+s5], $0x80, $0x38;
	[tilespmem:$0x1C400] =	vst v63  }
0x47: {  	p1 =	sgt.u32 s9, $0x4B  }
0x48: {  	s21 =	sadd.s32 $0x1, s21;
	s5 =	sand.u32 $0x1, s9;
	s10 =	sadd.s32 @!p1 $0xFFFFFFFF, s11  }
0x49: {  	s8 =	sshll.u32 s5, $0xE;
	s9 =	sadd.s32 $0x1, s5;
	s16 =	smul.u32 @!p1 $0xAB, s10  }
0x4a: {  	p2 =	sne.s32 s21, $0x51;
	s7 =	sshll.u32 s5, $0x7;
	_ =	swait.ge [sflag:s9], $0x4000  }
0x4b: {  	p0 =	seq.s32 @!p1 s11, $0x4E;
	[sflag:s9] =	ssyncset.done $0x0;
	s16 =	sshrl.u32 @!p1 s16, $0x9  }
0x4c: {  	s5 =	sadd.s32 $0x3, s5;
	[sflag:s9] =	ssyncadd.s32 $0xFFFFC000;
	s16 =	sand.u32 @!p1 $0x7F, s16  }
0x4d: {  	p0 =	por p0, p1;
	_ =	swait.ge [sflag:s5], $0x80;
	s12 =	smul.u32 @!p1 $0x3, s16  }
0x4e: {  	s8 =	sor.u32 $0x300, s8;
	s16 =	smov.u32 s25;
	[sflag:s5] =	ssyncset.done $0x0  }
0x4f: {  	s7 =	sor.u32 $0x200, s7;
	[sflag:s5] =	ssyncadd.s32 $0xFFFFFF80;
	s10 =	ssub.s32 @!p1 s10, s12  }
0x50: {  	[spmem:s2] =	stream.indirect.scatter.add.f32 [tilespmem:s8], [sflag:$0x8], $0x80, s7, s20, $0xb8;
	[tilespmem:$0x1C400] =	vst v63  }
0x51: {  	s12 =	smul.u32 @!p0 $0xAB, s11;
	s10 =	sand.u32 @!p1 $0xFF, s10;
	_ =	swait.ge [sflag:s19], $0x4000  }
0x52: {  	s13 =	sadd.s32 @!p1 $0x5, s10;
	[sflag:s19] =	ssyncset.done $0x0  }
0x53: {  	s10 =	sshll.u32 @!p1 s10, $0x7;
	s12 =	sshrl.u32 @!p0 s12, $0x9;
	[sflag:s19] =	ssyncadd.s32 $0xFFFFC000  }
0x54: {  	s12 =	sand.u32 @!p0 $0x7F, s12;
	_ =	swait.ge @!p1 [sflag:s13], $0x80  }
0x55: {  	s12 =	smul.u32 @!p0 $0x3, s12;
	[sflag:s13] =	ssyncset.done @!p1 $0x0  }
.Ltmp0:
0x56: {  	[sflag:s13] =	ssyncadd.s32 @!p1 $0xFFFFFF80;
	s13 =	simm.s32 @!p1 $0x0;
	(pc) =	sbr.rel @p2 .LBB2_2-.Ltmp0, $4  }
0x57: {  	[tilespmem:s7], [sflag:s5] =	stream.linear.gather @!p1 [hbm4b:s22+s13], $0x80, $0x38;
	[tilespmem:$0x1C400] =	vst v63  }
0x58: {  	s5 =	simm.s32 @!p1 $0x80;
	s7 =	ssub.s32 @!p0 s11, s12;
	s22 =	sadd.s32 $0x10, s22  }
0x59: {  	[tilespmem:s8], [sflag:s9] =	stream.indirect.gather @!p1 [hbm4b:s1+s5], $0x80, s10, s5, $0xb8;
	[tilespmem:$0x1C400] =	vst v63  }
0x5a: {  	s25 =	sadd.s32 $0x10, s25;
	s8 =	sand.u32 @!p0 $0xFF, s7;
	s5 =	simm.s32 @!p0 $0x0  }
0x5b: {  	s7 =	sshll.u32 @!p0 s8, $0x7;
	s8 =	sadd.s32 @!p0 $0x5, s8  }
0x5c: {  	[tilespmem:s7], [sflag:s8] =	stream.linear.gather @!p0 [hbm4b:s16+s5], $0x80, $0x38;
	[tilespmem:$0x1C400] =	vst v63  }
0x5d: {  	s22 =	rddreg [dreg:$0xa]  }
0x5e: {  	[tilespmem:s29], [sflag:$0x8] =	stream.linear.gather [hbm4b:s22+s4], $0x10, $0x38;
	[tilespmem:$0x1C400] =	vst v63  }
0x5f: {  	_ =	swait.ge [sflag:s19], $0x10  }
0x60: {  	[sflag:s19] =	ssyncset.done $0x0  }
0x61: {  	[sflag:s19] =	ssyncadd.s32 $0xFFFFFFF0  }
0x62: {  	[tilespmem:s24], [sflag:$0x1] =	stream.indirect.gather [hbm4b:s1+s30], $0x80, s29, s30, $0xb8;
	[tilespmem:$0x1C400] =	vst v63  }
0x63: {  	_ =	swait.ge [sflag:s31], $0x800  }
0x64: {  	[sflag:s31] =	ssyncset.done $0x0  }
0x65: {  	s25 =	rddreg [dreg:$0xb];
	[sflag:s31] =	ssyncadd.s32 $0xFFFFF800  }
0x66: {  	[tilespmem:s0], [sflag:$0x8] =	stream.linear.gather [hbm4b:s25+s4], $0x10, $0x38;
	[tilespmem:$0x1C400] =	vst v63  }
0x67: {  	_ =	swait.ge [sflag:s19], $0x10  }
0x68: {  	[sflag:s19] =	ssyncset.done $0x0  }
0x69: {  	[sflag:s19] =	ssyncadd.s32 $0xFFFFFFF0  }
0x6a: {  	[spmem:s2] =	stream.indirect.scatter.add.f32 [tilespmem:s24], [sflag:$0x8], $0x80, s0, s30, $0xb8;
	[tilespmem:$0x1C400] =	vst v63  }
0x6b: {  	_ =	swait.ge [sflag:s19], $0x800  }
0x6c: {  	s3 =	sadd.s32 $0x1, s3;
	[sflag:s19] =	ssyncset.done $0x0  }
0x6d: {  	p0 =	sne.s32 s3, s15;
	[sflag:s19] =	ssyncadd.s32 $0xFFFFF800  }
.Ltmp1:
0x6e: {  	[bflag:$0x0] =	sbarrier.arrive $0xFFFF;
	(pc) =	sbr.rel @p0 .LBB2_1-.Ltmp1, $4  }
0x6f: {  	[hbm:s14], [sflag:s6] =	dma.local [spmem:s18], $0x2800  }
0x70: {  	_ =	swait.ge [sflag:s19], $0x2800  }
0x71: {  	[sflag:s19] =	ssyncset.done $0x0  }
0x72: {  	[sflag:s19] =	ssyncadd.s32 $0xFFFFD800  }
0x73: {  	_ =	sfence.sel $0x180000  }
0x74: {  	[bflag:$0x0] =	sbarrier.arrive $0xFFFF  }
0x75: {  	_ =	strace $0x9000004D  }
0x76: {  	s0 =	stileid.u32;
	[bflag:$0x2] =	sbarrier.arrive $0xFFFF  }
0x77: {  	p0 =	sne.s32 s0, $0x0;
	s0 =	rddreg [dreg:$0x3]  }
0x78: {  	s0 =	sadd.s32 @!p0 $0x100000, s0  }
0x79: {  	[sflag:s0] =	ssyncadd.tile.s32 @!p0 $0x1;
	_ =	shalt  }
.Lfunc_end2:
_tile_overlayer_lowered:
.L_overlay_start_2:
0x7a: {  	(tag) =	ssettag $0x2  }
0x7b: {  	s0 =	rddreg [dreg:$0x0];
	s2 =	stileid.u32  }
0x7c: {  	s1 =	rddreg [dreg:$0x1];
	p0 =	sne.s32 s2, $0x0  }
0x7d: {  	s3 =	rddreg [dreg:$0x2];
	[bflag:$0x3] =	sbarrier.arrive $0xFFFF;
	s2 =	simm.s32 @!p0 $0x1C08  }
0x7e: {  	[timem:s3], [sflag:s2] =	dma.local @!p0 [hbm:s0], s1  }
0x7f: {  	s0 =	simm.s32 @!p0 $0x8  }
0x80: {  	_ =	swait.ge @!p0 [sflag:s0], s1  }
0x81: {  	s1 =	ssub.s32 @!p0 $0x0, s1;
	[sflag:s0] =	ssyncset.done @!p0 $0x0  }
0x82: {  	[sflag:s0] =	ssyncadd.s32 @!p0 s1  }
0x83: {  	[bflag:$0x3] =	sbarrier.arrive $0xFFFF  }
0x84: {  	_ =	shalt  }

// kernel: kernel.8.cloned.1.call-start
scs
__scs_entry_jumppad:
0x0: {  	(pc) =	sbr.rel $0x88, $3  }
0x1: {  	(tag) =	ssettag $0x0;
	lr =	simm.s32 $0x1  }
0x2: {  	[smem:$0x3F99] =	sst lr;
	_ =	strace $0xD0000000  }
0x3: {  	_ = 	snop  }
0x4: {  	_ = 	snop  }
0x5: {  	_ = 	snop  }
0x6: {  	_ = 	snop  }
0x7: {  	_ = 	snop  }
__scs_overlays_trampoline_lowered:
0x8: {  	[smem:$0x3FA8] =	sst s0  }
0x9: {  	[smem:$0x3FA9] =	sst s1  }
0xa: {  	[smem:$0x3FAA] =	sst s2  }
0xb: {  	[smem:$0x3FAB] =	sst s3  }
0xc: {  	[smem:$0x3FAC] =	sst s4  }
0xd: {  	[smem:$0x3FAD] =	sst s5  }
0xe: {  	[smem:$0x3FAE] =	sst s6  }
0xf: {  	[smem:$0x3FAF] =	sst s7  }
0x10: {  	[smem:$0x3FB0] =	sst s8  }
0x11: {  	[smem:$0x3FB1] =	sst s9;
	s0 =	simm.s32 @!p0 $0x0  }
0x12: {  	s1 =	sld [smem:$0x3F97];
	s0 =	simm.s32 @p0 $0x1  }
0x13: {  	[smem:$0x3FB2] =	sst s0;
	s0 =	simm.s32 @!p1 $0x0  }
0x14: {  	s2 =	sld [smem:$0x3F96];
	s0 =	simm.s32 @p1 $0x1  }
0x15: {  	[smem:$0x3FB3] =	sst s0;
	s0 =	simm.s32 @!p2 $0x0  }
0x16: {  	s3 =	sld [smem:$0x3FDB];
	s0 =	simm.s32 @p2 $0x1  }
0x17: {  	s4 =	simm.s32 $0x1BF5;
	[smem:$0x3FB5] =	sst s0  }
0x18: {  	s0 =	sld [smem:$0x3F98];
	_ =	swait.ge [sflag:s4], $0x0  }
0x19: {  	s7 =	sld [smem:$0x3F99]  }
0x1a: {  	s8 =	sadd.s32 $0xFFFFE003, lr  }
0x1b: {  	s9 =	sadd.s32 $0xFFFFFEF7, lr;
	s5 =	simm.s32 $0xFFFFFFFF;
	p2 =	slt.u32 s8, $0xFFFFF086  }
0x1c: {  	p1 =	slt.u32 s9, $0xF7A;
	s5 =	simm.s32 @!p2 $0x0  }
0x1d: {  	s5 =	simm.s32 @p1 $0x1;
	p0 =	seq.s32 s7, s2  }
0x1e: {  	s7 =	smul.u32 @!p0 $0xF7A, s2;
	p2 =	seq.s32 @!p0 s5, $0x0  }
0x1f: {  	s9 =	smul.u32 $0xF7A, s1;
	s8 =	simm.s32 @!p0 $0x1BF5;
	p2 =	por !p2, p0  }
0x20: {  	[sflag:s8] =	ssyncset.s32 @!p0 $0xFFFFF086;
	s6 =	sadd.s32 @!p0 s3, s7;
	s7 =	simm.s32 @!p0 $0x108  }
0x21: {  	s3 =	sadd.s32 s3, s9;
	s6 =	sadd.s32 @!p0 $0x88, s6;
	s7 =	simm.s32 @p2 $0x1082  }
0x22: {  	[simem:s7], [sflag:s8] =	dma.local @!p0 [hbm:s6], $0xF7A  }
0x23: {  	s9 =	sor.u32 $0xD0000000, s2;
	s6 =	simm.s32 $0x108;
	_ =	swait.ge @!p0 [sflag:s8], $0x0  }
0x24: {  	s3 =	sadd.s32 $0x88, s3;
	s6 =	simm.s32 @!p1 $0x1082;
	[sflag:s4] =	ssyncset.s32 $0xFFFFF086  }
0x25: {  	[simem:s6], [sflag:s4] =	dma.local [hbm:s3], $0xF7A  }
0x26: {  	[smem:$0x3F99] =	sst s1;
	(tag) =	ssettag s2;
	_ =	strace s9  }
0x27: {  	s1 =	sld [smem:$0x3FA9]  }
0x28: {  	s2 =	sld [smem:$0x3FAA]  }
0x29: {  	s4 =	sld [smem:$0x3FAC]  }
0x2a: {  	p0 =	seq.s32 s5, $0x0;
	s5 =	sld [smem:$0x3FAD]  }
0x2b: {  	s6 =	sld [smem:$0x3FAE]  }
0x2c: {  	s7 =	sld [smem:$0x3FAF]  }
0x2d: {  	s3 =	simm.s32 $0x108;
	s8 =	sld [smem:$0x3FB0]  }
0x2e: {  	s3 =	simm.s32 @!p0 $0x1082;
	s9 =	sld [smem:$0x3FB1]  }
0x2f: {  	lr =	sadd.s32 s0, s3;
	s0 =	sld [smem:$0x3FA8]  }
0x30: {  	s3 =	sld [smem:$0x3FAB]  }
0x31: {  	[smem:$0x3FB4] =	sst s10  }
0x32: {  	s10 =	sld [smem:$0x3FB2];
	_ =	sdelay $0x3  }
0x33: {  	p0 =	seq.s32 s10, $0x1;
	s10 =	sld [smem:$0x3FB4];
	_ =	sdelay $0x3  }
0x34: {  	[smem:$0x3FB4] =	sst s10  }
0x35: {  	s10 =	sld [smem:$0x3FB3];
	_ =	sdelay $0x3  }
0x36: {  	p1 =	seq.s32 s10, $0x1;
	s10 =	sld [smem:$0x3FB4];
	_ =	sdelay $0x3  }
0x37: {  	[smem:$0x3FB4] =	sst s10  }
0x38: {  	s10 =	sld [smem:$0x3FB5]  }
0x39: {  	_ = 	snop;
	(pc) =	sbr.ind lr, $3  }
0x3a: {  	_ = 	snop  }
0x3b: {  	_ = 	snop  }
0x3c: {  	p2 =	seq.s32 s10, $0x1;
	s10 =	sld [smem:$0x3FB4]  }
0x3d: {  	_ =	shalt  }
0x3e: {  	_ =	shalt  }
0x3f: {  	_ =	shalt  }
0x40: {  	_ =	shalt  }
0x41: {  	_ =	shalt  }
0x42: {  	_ =	shalt  }
0x43: {  	_ =	shalt  }
0x44: {  	_ =	shalt  }
0x45: {  	_ =	shalt  }
0x46: {  	_ =	shalt  }
0x47: {  	_ =	shalt  }
0x48: {  	_ =	shalt  }
0x49: {  	_ =	shalt  }
0x4a: {  	_ =	shalt  }
0x4b: {  	_ =	shalt  }
0x4c: {  	_ =	shalt  }
0x4d: {  	_ =	shalt  }
0x4e: {  	_ =	shalt  }
0x4f: {  	_ =	shalt  }
0x50: {  	_ =	shalt  }
0x51: {  	_ =	shalt  }
0x52: {  	_ =	shalt  }
0x53: {  	_ =	shalt  }
0x54: {  	_ =	shalt  }
0x55: {  	_ =	shalt  }
0x56: {  	_ =	shalt  }
0x57: {  	_ =	shalt  }
0x58: {  	_ =	shalt  }
0x59: {  	_ =	shalt  }
0x5a: {  	_ =	shalt  }
0x5b: {  	_ =	shalt  }
0x5c: {  	_ =	shalt  }
0x5d: {  	_ =	shalt  }
0x5e: {  	_ =	shalt  }
0x5f: {  	_ =	shalt  }
0x60: {  	_ =	shalt  }
0x61: {  	_ =	shalt  }
0x62: {  	_ =	shalt  }
0x63: {  	_ =	shalt  }
0x64: {  	_ =	shalt  }
0x65: {  	_ =	shalt  }
0x66: {  	_ =	shalt  }
0x67: {  	_ =	shalt  }
0x68: {  	_ =	shalt  }
0x69: {  	_ =	shalt  }
0x6a: {  	_ =	shalt  }
0x6b: {  	_ =	shalt  }
0x6c: {  	_ =	shalt  }
0x6d: {  	_ =	shalt  }
0x6e: {  	_ =	shalt  }
0x6f: {  	_ =	shalt  }
0x70: {  	_ =	shalt  }
0x71: {  	_ =	shalt  }
0x72: {  	_ =	shalt  }
0x73: {  	_ =	shalt  }
0x74: {  	_ =	shalt  }
0x75: {  	_ =	shalt  }
0x76: {  	_ =	shalt  }
0x77: {  	_ =	shalt  }
0x78: {  	_ =	shalt  }
0x79: {  	_ =	shalt  }
0x7a: {  	_ =	shalt  }
0x7b: {  	_ =	shalt  }
0x7c: {  	_ =	shalt  }
0x7d: {  	_ =	shalt  }
0x7e: {  	_ =	shalt  }
0x7f: {  	_ =	shalt  }
0x80: {  	_ =	shalt  }
0x81: {  	_ =	shalt  }
0x82: {  	_ =	shalt  }
0x83: {  	_ =	shalt  }
0x84: {  	_ =	shalt  }
0x85: {  	_ =	shalt  }
0x86: {  	_ =	shalt  }
0x87: {  	_ =	shalt  }
.Lfunc_end0:
.L_simem_size_0:
called_computation_lowered:
.L_overlay_start_0:
0x88: {  	s2 =	sld [smem:$0x3FD9]  }
0x89: {  	s3 =	sld [smem:$0x3FFE];
	_ =	sdelay $0x1  }
0x8a: {  	s1 =	srdreg.scid  }
0x8b: {  	s0 =	sand.u32 $0x1, s1  }
0x8c: {  	s17 =	sshll.u32 s0, $0xA;
	s2 =	sadd.s32 s3, s2  }
0x8d: {  	s2 =	sadd.s32 s2, s17  }
0x8e: {  	[smem:$0x3FC0] =	sst s2  }
0x8f: {  	_ = 	snop  }
0x90: {  	s2 =	sld [smem:$0x3FD0];
	(tm) =	ssettm $0x1  }
0x91: {  	s18 =	sld [smem:$0x3FFB];
	_ =	sdelay $0x3  }
0x92: {  	_ =	strace s18  }
0x93: {  	s3 =	sld [smem:$0x3FFC];
	_ =	sdelay $0x3  }
0x94: {  	_ =	strace s3  }
0x95: {  	s3 =	sld [smem:$0x3FFD];
	_ =	sdelay $0x3  }
0x96: {  	_ =	strace s3  }
0x97: {  	_ =	strace $0x8FFFFFFF  }
0x98: {  	s19 =	sld [smem:$0x3FDB];
	_ =	sdelay $0x1  }
0x99: {  	s4 =	simm.s32 $_scs_section_size  }
0x9a: {  	s5 =	simm.s32 $_size__tile_overlayer_lowered;
	s6 =	simm.s32 $_tile_overlayer_lowered  }
0x9b: {  	s22 =	simm.s32 $0x1BFF;
	s21 =	sshll.u32 s6, $0x1;
	s3 =	sadd.s32 s4, s19  }
0x9c: {  	s7 =	simm.s32 $0x0;
	s20 =	sshll.u32 s5, $0x1;
	s5 =	sadd.s32 s21, s3  }
0x9d: {  	[timem:s7], [sflag:s22] =	dma.local [hbm:s5], s20  }
0x9e: {  	_ =	swait.ge [sflag:s22], s20  }
0x9f: {  	s4 =	ssub.s32 $0x0, s20;
	[sflag:s22] =	ssyncset.done $0x0  }
0xa0: {  	[sflag:s22] =	ssyncadd.s32 s4;
	_ =	sdelay $0x1  }
0xa1: {  	s23 =	simm.s32 $0x1B8B  }
0xa2: {  	_ =	swait.ge [sflag:s23], $0x1  }
0xa3: {  	[sflag:s23] =	ssyncset.done $0x0  }
0xa4: {  	s25 =	simm.s32 $0x1B8E;
	s24 =	sld [smem:$0x3FFE];
	[sflag:s23] =	ssyncadd.s32 $0xFFFFFFFF  }
0xa5: {  	s26 =	simm.s32 $execute0_lowered;
	[smem:$0x3FD2] =	sst s25  }
0xa6: {  	s5 =	sshll.u32 s26, $0x1;
	_ =	strace $0x80000046;
	[dreg:$0x1] =	wrdreg $0xFFFFFFFF  }
0xa7: {  	s28 =	simm.s32 $_size_execute0_lowered;
	s3 =	sadd.s32 s3, s5;
	[dreg:$0x0] =	wrdreg $0x0  }
0xa8: {  	s5 =	sshll.u32 s28, $0x1;
	[dreg:$0x2] =	wrdreg s3  }
0xa9: {  	[dreg:$0x3] =	wrdreg s5  }
0xaa: {  	[dreg:$0x4] =	wrdreg $0xC0  }
0xab: {  	_ =	task [dreg:s7], $0x5FFFF  }
0xac: {  	[dreg:$0x1] =	wrdreg $0xFFFFFFFF  }
0xad: {  	[dreg:$0x0] =	wrdreg $0x60  }
0xae: {  	[dreg:$0x2] =	wrdreg s24  }
0xaf: {  	[dreg:$0x3] =	wrdreg s2  }
0xb0: {  	[dreg:$0x4] =	wrdreg $0x9  }
0xb1: {  	_ =	task.clear_ibuf [dreg:s7], $0x5FFFF;
	_ =	strace $0x90000046  }
0xb2: {  	s29 =	simm.s32 $0x9;
	_ =	strace $0x80000048  }
0xb3: {  	_ =	swait.ge [sflag:s29], $0x1  }
0xb4: {  	[sflag:s29] =	ssyncadd.s32 $0xFFFFFFFF  }
0xb5: {  	_ =	strace $0x90000048  }
0xb6: {  	_ =	sfence  }
0xb7: {  	s30 =	sld [smem:$0x0];
	_ =	sdelay $0x2  }
0xb8: {  	s31 =	sshll.u32 s1, $0xD;
	s1 =	sshrl.u32 s1, $0x2  }
0xb9: {  	s3 =	sand.u32 $0x4000, s31;
	s1 =	sadd.s32 s1, s30  }
0xba: {  	s0 =	sor.u32 s3, s0;
	s1 =	sshll.u32 s1, $0x11  }
0xbb: {  	s0 =	sor.u32 s1, s0  }
0xbc: {  	s0 =	sadd.s32 $0x8F2B, s0  }
0xbd: {  	[sflag:s0] =	ssyncadd.remote.s32 $0x1  }
0xbe: {  	_ =	sfence.sel $0xFFFF  }
0xbf: {  	[dreg:$0x0] =	wrdreg $0xFFFFFFFF;
	(pc) =	sbr.abs _section_cstart, $3  }
0xc0: {  	[dreg:$0x1] =	wrdreg $0xFFFFFFFF  }
0xc1: {  	_ =	task.clear_ibuf [dreg:s7], $0x2FFFF;
	_ =	strace $0x9FFFFFFF  }
0xc2: {  	(tm) =	ssettm $0x7FFFFFFF  }
0xc3: {  	_ =	shalt  }
tec
execute0_lowered:
.L_overlay_start_1:
0x0: {  	(tag) =	ssettag $0x1  }
0x1: {  	s3 =	rddreg [dreg:$0x0]  }
0x2: {  	s1 =	srdreg.scid;
	s0 =	stileid.u32  }
0x3: {  	s4 =	rddreg [dreg:$0x1];
	s9 =	simm.s32 $0x400;
	s10 =	simm.s32 $0x0  }
0x4: {  	s5 =	sand.u32 $0x1, s1;
	s2 =	sshll.u32 s0, $0x1;
	s1 =	rddreg [dreg:$0x2]  }
0x5: {  	s7 =	sshrl.u32 s0, $0x2;
	s6 =	sor.u32 s5, s2;
	s2 =	simm.s32 $0x0  }
0x6: {  	s7 =	smul.u32 $0x14000, s7;
	s5 =	ssub.s32 $0x2, s5;
	s8 =	sshll.u32 s6, $0x7  }
0x7: {  	[smem:$0x7FF] =	sst s2;
	s6 =	smul.u32 $0x4E2, s6;
	s31 =	sshrl.u32 s5, $0x1  }
0x8: {  	s8 =	sand.u32 $0x380, s8;
	_ =	strace $0x80000047;
	s5 =	ssub.s32 s5, s31  }
0x9: {  	s7 =	sor.u32 s7, s8;
	s3 =	sadd.s32 s6, s3;
	s5 =	smax.u32 s5, $0x1  }
0xa: {  	s6 =	simm.s32 $0x1;
	s8 =	simm.s32 $0x80;
	s7 =	sshrl.u32 s7, $0x3  }
0xb: {  	v0 =	vimm.f32 $0.0e+00;
	v1 =	vimm.f32 $1.000000000e+00;
	s3 =	sadd.s32 $0xC800, s3;
	s4 =	sadd.s32 s4, s7;
	s7 =	simm.s32 $0x2780  }
.LBB2_1:
0xc: {  	[tilespmem:s2], [sflag:$0x1] =	stream.linear.gather [hbm4b:s3+s2], $0x2710, $0x38;
	[tilespmem:$0x4F80] =	vst v63  }
0xd: {  	_ =	swait.ge [sflag:s6], $0x2710  }
0xe: {  	[sflag:s6] =	ssyncset.done $0x0  }
0xf: {  	s11 =	simm.s32 $0x0;
	[sflag:s6] =	ssyncadd.s32 $0xFFFFD8F0  }
.LBB2_2:
0x10: {  	p0 =	sne.s32 s11, $0x9FC0  }
.Ltmp0:
0x11: {  	_ = 	snop;
	(pc) =	sbr.rel @p0 .LBB2_2-.Ltmp0, $3  }
0x12: {  	_ =	sdelay $0x1  }
0x13: {  	s12 =	sshra.s32 s11, $0x2  }
0x14: {  	s11 =	sadd.s32 $0x40, s11;
	[tilespmem:s12+$0x2780] =	vst v0  }
0x15: {  	s12 =	simm.s32 $0x0;
	s11 =	simm.s32 $0x40  }
.LBB2_4:
0x16: {  	p0 =	sne.s32 s11, $0x9C00;
	v2 =	vld [tilespmem:s12+$0x0];
	_ =	sdelay $0x3  }
.Ltmp1:
0x17: {  	(pc) =	sbr.rel @p0 .LBB2_4-.Ltmp1, $2  }
0x18: {  	_ =	sdelay $0x2  }
0x19: {  	s12 =	sshra.s32 s11, $0x2;
	s11 =	sadd.s32 $0x40, s11;
	[tilespmem:v2+s7+$0x0] =	vst.idx.add.f32.msk $0xffff, v1  }
0x1a: {  	v2 =	vld [tilespmem:s12+$0x0];
	_ =	sdelay $0x5  }
0x1b: {  	s10 =	sadd.s32 $0x1, s10  }
0x1c: {  	p0 =	sne.s32 s10, s5  }
.Ltmp2:
0x1d: {  	[tilespmem:v2+s7+$0x0] =	vst.idx.add.f32.msk $0xffff, v1;
	(pc) =	sbr.rel @p0 .LBB2_1-.Ltmp2, $4  }
0x1e: {  	[hbm4b:s4+s8] =	stream.strided.scatter [tilespmem:s7], [sflag:$0x1], $0x2800, s9, s8, $0x38;
	[tilespmem:$0x4F80] =	vst v63  }
0x1f: {  	_ =	swait.ge [sflag:s6], $0x2800  }
0x20: {  	[sflag:s6] =	ssyncset.done $0x0  }
0x21: {  	[sflag:s6] =	ssyncadd.s32 $0xFFFFD800  }
0x22: {  	_ =	sfence.sel $0x180000  }
0x23: {  	[bflag:$0x0] =	sbarrier.arrive $0xFFFF  }
0x24: {  	p0 =	sne.s32 s0, $0x0;
	_ =	strace $0x90000047  }
0x25: {  	s0 =	sadd.s32 @!p0 $0x100000, s1;
	[bflag:$0x2] =	sbarrier.arrive $0xFFFF  }
0x26: {  	[sflag:s0] =	ssyncadd.tile.s32 @!p0 $0x1;
	_ =	shalt  }
.Lfunc_end2:
_tile_overlayer_lowered:
.L_overlay_start_2:
0x27: {  	(tag) =	ssettag $0x2  }
0x28: {  	s0 =	rddreg [dreg:$0x0];
	s2 =	stileid.u32  }
0x29: {  	s1 =	rddreg [dreg:$0x1];
	p0 =	sne.s32 s2, $0x0  }
0x2a: {  	s3 =	rddreg [dreg:$0x2];
	[bflag:$0x3] =	sbarrier.arrive $0xFFFF;
	s2 =	simm.s32 @!p0 $0x1C01  }
0x2b: {  	[timem:s3], [sflag:s2] =	dma.local @!p0 [hbm:s0], s1  }
0x2c: {  	s0 =	simm.s32 @!p0 $0x1  }
0x2d: {  	_ =	swait.ge @!p0 [sflag:s0], s1  }
0x2e: {  	s1 =	ssub.s32 @!p0 $0x0, s1;
	[sflag:s0] =	ssyncset.done @!p0 $0x0  }
0x2f: {  	[sflag:s0] =	ssyncadd.s32 @!p0 s1  }
0x30: {  	[bflag:$0x3] =	sbarrier.arrive $0xFFFF  }
0x31: {  	_ =	shalt  }

</sc_bundles>
